<compile_context>
chip_gen: v7x
topology: tpu7x:2x2x1
jax: 0.10.2.dev20260603
libtpu: 0.0.44.dev20260713+nightly
codegen_flags: <defaults>
</compile_context>

<pallas_src>
import functools

import jax
import jax.numpy as jnp
from jax import lax
from jax.experimental import pallas as pl
from jax.experimental.pallas import tpu as pltpu
from jax.experimental.pallas import tpu_sc as plsc

_B, _S, _D, _K = 32, 576, 256, 1024
_N = _B * _S
_BM = 2048
_NB = _N // _BM

_NC, _NS = 2, 16
_NW = _NC * _NS
_RPW = _N // _NW
_CH = 96
_NCH = _RPW // _CH
_NBUF = 3


def _vq_tc_body(x_ref, cb_ref, m_ref, idxm_ref, idxg_ref, loss_ref,
                cbe_ref, cbn_ref, acc_ref):
    i = pl.program_id(0)
    cb = cb_ref[...]

    @pl.when(i == 0)
    def _init():
        cbn_ref[...] = jnp.sum(cb * cb, axis=1)[None, :]
        acc_ref[0] = 0.0
        acc_ref[1] = 0.0
        cbe_ref[...] = jnp.concatenate(
            [cb, jnp.zeros((8, _D), jnp.float32)], axis=0)

    x = x_ref[...]
    s2 = lax.dot_general(x * -2.0, cb, (((1,), (1,)), ((), ())),
                         preferred_element_type=jnp.float32)
    xn = jnp.sum(x * x, axis=1, keepdims=True)
    d = (xn + s2) + cbn_ref[...]
    dmin = jnp.min(d, axis=1, keepdims=True)
    idsf = lax.broadcasted_iota(jnp.int32, (1, _K), 1).astype(jnp.float32)
    idxf = jnp.min(jnp.where(d == dmin, idsf, float(_K)), axis=1,
                   keepdims=True)
    idxfT = lax.transpose(idxf, (1, 0))
    dminT = lax.transpose(dmin, (1, 0))
    idx = idxfT.astype(jnp.int32)
    valid = m_ref[0] > 0.5
    idxm_ref[0] = jnp.where(valid, idx, 0)
    idxg_ref[0] = jnp.where(valid, idx, _K)
    mf = valid.astype(jnp.float32)

    acc_ref[0] += jnp.sum(dminT * mf)
    acc_ref[1] += jnp.sum(mf)

    @pl.when(i == _NB - 1)
    def _final():
        loss_ref[0] = 0.25 * acc_ref[0] / (acc_ref[1] * float(_D))


def _vq_tc(flat, cb, maskf):
    return pl.pallas_call(
        _vq_tc_body,
        grid=(_NB,),
        in_specs=[
            pl.BlockSpec((_BM, _D), lambda i: (i, 0)),
            pl.BlockSpec((_K, _D), lambda i: (0, 0)),
            pl.BlockSpec((1, 1, _BM), lambda i: (i, 0, 0)),
        ],
        out_specs=[
            pl.BlockSpec((1, 1, _BM), lambda i: (i, 0, 0)),
            pl.BlockSpec((1, 1, _BM), lambda i: (i, 0, 0)),
            pl.BlockSpec(memory_space=pltpu.SMEM),
            pl.BlockSpec((_K + 8, _D), lambda i: (0, 0)),
        ],
        out_shape=[
            jax.ShapeDtypeStruct((_NB, 1, _BM), jnp.int32),
            jax.ShapeDtypeStruct((_NB, 1, _BM), jnp.int32),
            jax.ShapeDtypeStruct((1,), jnp.float32),
            jax.ShapeDtypeStruct((_K + 8, _D), jnp.float32),
        ],
        scratch_shapes=[
            pltpu.VMEM((1, _K), jnp.float32),
            pltpu.SMEM((2,), jnp.float32),
        ],
    )(flat, cb, maskf)


def _sc_gather_body(cb_hbm, idx_hbm, out_hbm, idx_v, rows_v, gsem, ssem):
    c = lax.axis_index("c")
    s = lax.axis_index("s")
    wid = s * _NC + c
    base = wid * _RPW
    pltpu.sync_copy(idx_hbm.at[pl.ds(base, _RPW)], idx_v)

    def gather(ch):
        return pltpu.async_copy(
            cb_hbm.at[idx_v.at[pl.ds(ch * _CH, _CH)]],
            rows_v.at[ch % _NBUF], gsem)

    gets = {0: gather(0), 1: gather(1)}
    puts = {}
    for ch in range(_NCH):
        nxt = ch + 2
        if nxt < _NCH:
            if nxt - _NBUF >= 0:
                puts[nxt - _NBUF].wait()
            gets[nxt] = gather(nxt)
        gets[ch].wait()
        puts[ch] = pltpu.async_copy(
            rows_v.at[ch % _NBUF],
            out_hbm.at[pl.ds(base + ch * _CH, _CH)], ssem)
    for ch in range(max(0, _NCH - _NBUF), _NCH):
        puts[ch].wait()


@functools.cache
def _make_sc_gather():
    return functools.partial(
        pl.kernel,
        out_type=jax.ShapeDtypeStruct((_N, _D), jnp.float32),
        mesh=plsc.VectorSubcoreMesh(core_axis_name="c", subcore_axis_name="s"),
        scratch_types=[
            pltpu.VMEM((_RPW,), jnp.int32),
            pltpu.VMEM((_NBUF, _CH, _D), jnp.float32),
            pltpu.SemaphoreType.DMA,
            pltpu.SemaphoreType.DMA,
        ],
    )(_sc_gather_body)


def kernel(inputs, attention_mask, codebook):
    flat = inputs.reshape(_N, _D).astype(jnp.float32)
    cb = codebook.astype(jnp.float32)
    maskf = attention_mask.reshape(_NB, 1, _BM).astype(jnp.float32)
    idxm, idxg, loss, cb_ext = _vq_tc(flat, cb, maskf)
    q = _make_sc_gather()(cb_ext, idxg.reshape(_N))
    quantized = q.reshape(_B, _S, _D).astype(inputs.dtype)
    indices = idxm.reshape(_B, _S)
    return quantized, loss[0], indices

# --- scband reference (transcript-rebuilt; emitter-appended) ---
"""Pipeline reference for scband-vector-quantizer-38783554683433 (READ-ONLY COPY).

The authoritative reference and input builder live on the scoring server;
editing this copy changes nothing except your own understanding.
"""

import jax, jax.numpy as jnp
import numpy as np


def setup_inputs(seed: int = 0) -> dict:
    key = jax.random.key(seed)
    k1, k2 = jax.random.split(key)
    B, S, D, K = 32, 576, 256, 1024
    inputs = jax.random.normal(k1, (B, S, D), dtype=jnp.float32)
    attention_mask = jnp.ones((B, S), dtype=jnp.float32)
    # learned codebook, initialized uniform(-1/K, 1/K) as in the torch module
    codebook = jax.random.uniform(k2, (K, D), minval=-1.0 / K, maxval=1.0 / K, dtype=jnp.float32)
    return {"inputs": inputs, "attention_mask": attention_mask, "codebook": codebook}


def reference(inputs, attention_mask, codebook):
    # Eval-mode forward of VectorQuantizer (no EMA update / codebook init).
    B, S, D = inputs.shape
    flat = inputs.reshape(-1, D).astype(jnp.float32)
    valid = attention_mask.reshape(-1) > 0.5
    cb = codebook.astype(jnp.float32)
    # ||z||^2 - 2 z.e + ||e||^2
    dists = (jnp.sum(flat * flat, axis=-1, keepdims=True)
             - 2.0 * (flat @ cb.T)
             + jnp.sum(cb * cb, axis=-1)[None, :])
    idx = jnp.argmin(dists, axis=-1)
    q = jnp.take(cb, idx, axis=0)
    maskf = valid.astype(jnp.float32)[:, None]
    diff = flat - jax.lax.stop_gradient(q)
    # mse over valid tokens only (torch computes mse on flat_valid subset)
    commitment = jnp.sum(diff * diff * maskf) / (jnp.sum(maskf) * D)
    vq_loss = 0.25 * commitment
    # straight-through estimator
    q_st = flat + jax.lax.stop_gradient(q - flat)
    # scatter back into zero-initialized buffer at valid positions
    quantized = jnp.where(valid[:, None], q_st, 0.0).reshape(B, S, D).astype(inputs.dtype)
    indices = jnp.where(valid, idx, 0).reshape(B, S)
    return quantized, vq_loss, indices

if __name__ == "__main__":
    import jax
    _d = setup_inputs()
    print(jax.jit(kernel)(*tuple(_d.values())))

</pallas_src>

<mosaic_0001>
#map = affine_map<(d0, d1) -> (0, 0)>
#map1 = affine_map<(d0, d1) -> (0)>
module attributes {stable_mosaic.version = 14 : i64} {
  func.func @_sc_gather_body(%arg0: i32, %arg1: i32, %arg2: memref<1032x256xf32, #tpu.memory_space<hbm>>, %arg3: memref<18432xi32, #tpu.memory_space<hbm>>, %arg4: memref<18432x256xf32, #tpu.memory_space<hbm>>, %arg5: memref<576xi32, #tpu.memory_space<vmem>>, %arg6: memref<3x96x256xf32, #tpu.memory_space<vmem>>, %arg7: memref<!tpu.dma_semaphore, #tpu.memory_space<semaphore_mem>>, %arg8: memref<!tpu.dma_semaphore, #tpu.memory_space<semaphore_mem>>) attributes {dimension_semantics = [#tpu.dimension_semantics<core_parallel>, #tpu.dimension_semantics<subcore_parallel>], iteration_bounds = array<i64: 2, 16>, scalar_prefetch = 0 : i64, scratch_operands = 4 : i64, tpu.core_type = #tpu.core_type<sc_vector_subcore>, window_params = [{transform_indices = #map}, {transform_indices = #map1}, {transform_indices = #map}]} {
    %mul3A = arith.constant 2 : i32
    %mul3A_0 = arith.muli %arg1, %mul3A : i32
    %add3A = arith.addi %mul3A_0, %arg0 : i32
    %mul3A_1 = arith.constant 576 : i32
    %mul3A_2 = arith.muli %add3A, %mul3A_1 : i32
    "tpu.region"() ({
      %run_scoped3A = tpu.sem_alloc : memref<!tpu.dma_semaphore, #tpu.memory_space<semaphore_mem>>
      %dma_start3A_289 = tpu.memref_slice %arg3[%mul3A_2] : memref<18432xi32, #tpu.memory_space<hbm>> -> memref<576xi32, #tpu.memory_space<hbm>>
      %dma_start3A_290 = tpu.memref_slice %arg3[%mul3A_2] : memref<18432xi32, #tpu.memory_space<hbm>> -> memref<576xi32, #tpu.memory_space<hbm>>
      tpu.enqueue_dma source(%dma_start3A_290 : memref<576xi32, #tpu.memory_space<hbm>>) target(%arg5 : memref<576xi32, #tpu.memory_space<vmem>>) target_semaphore(%run_scoped3A : memref<!tpu.dma_semaphore, #tpu.memory_space<semaphore_mem>>)
      %dma_wait3A_291 = tpu.memref_slice %arg3[%mul3A_2] : memref<18432xi32, #tpu.memory_space<hbm>> -> memref<576xi32, #tpu.memory_space<hbm>>
      %dma_wait3A_292 = tpu.memref_slice %arg3[%mul3A_2] : memref<18432xi32, #tpu.memory_space<hbm>> -> memref<576xi32, #tpu.memory_space<hbm>>
      tpu.wait_dma2 semaphore(%run_scoped3A : memref<!tpu.dma_semaphore, #tpu.memory_space<semaphore_mem>>) src(%dma_wait3A_292 : memref<576xi32, #tpu.memory_space<hbm>>) dst(%arg5 : memref<576xi32, #tpu.memory_space<vmem>>)
      tpu.yield
    }) : () -> ()
    %dma_start3A = arith.constant 0 : i32
    %dma_start3A_3 = arith.constant 0 : i32
    %dma_start3A_4 = arith.constant 0 : i32
    %dma_start3A_5 = tpu.memref_slice %arg6[%dma_start3A, %dma_start3A_3, %dma_start3A_4] : memref<3x96x256xf32, #tpu.memory_space<vmem>> -> memref<1x96x256xf32, #tpu.memory_space<vmem>>
    %dma_start3A_6 = tpu.memref_squeeze %dma_start3A_5 : memref<1x96x256xf32, #tpu.memory_space<vmem>> -> memref<96x256xf32, #tpu.memory_space<vmem>>
    %dma_start3A_7 = arith.constant 0 : i32
    %dma_start3A_8 = tpu.memref_slice %arg5[%dma_start3A_7] : memref<576xi32, #tpu.memory_space<vmem>> -> memref<96xi32, #tpu.memory_space<vmem>>
    %dma_start3A_9 = arith.constant 0 : i32
    %dma_start3A_10 = arith.constant 0 : i32
    %dma_start3A_11 = tpu.memref_slice %arg2[%dma_start3A_9, %dma_start3A_10] : memref<1032x256xf32, #tpu.memory_space<hbm>> -> memref<1032x256xf32, #tpu.memory_space<hbm>>
    tpu.enqueue_indirect_dma source(%dma_start3A_11 : memref<1032x256xf32, #tpu.memory_space<hbm>>) target(%dma_start3A_6 : memref<96x256xf32, #tpu.memory_space<vmem>>) offsets(%dma_start3A_8 : memref<96xi32, #tpu.memory_space<vmem>>) semaphore(%arg7 : memref<!tpu.dma_semaphore, #tpu.memory_space<semaphore_mem>>)
    %dma_start3A_12 = arith.constant 1 : i32
    %dma_start3A_13 = arith.constant 0 : i32
    %dma_start3A_14 = arith.constant 0 : i32
    %dma_start3A_15 = tpu.memref_slice %arg6[%dma_start3A_12, %dma_start3A_13, %dma_start3A_14] : memref<3x96x256xf32, #tpu.memory_space<vmem>> -> memref<1x96x256xf32, #tpu.memory_space<vmem>>
    %dma_start3A_16 = tpu.memref_squeeze %dma_start3A_15 : memref<1x96x256xf32, #tpu.memory_space<vmem>> -> memref<96x256xf32, #tpu.memory_space<vmem>>
    %dma_start3A_17 = arith.constant 96 : i32
    %dma_start3A_18 = tpu.memref_slice %arg5[%dma_start3A_17] : memref<576xi32, #tpu.memory_space<vmem>> -> memref<96xi32, #tpu.memory_space<vmem>>
    %dma_start3A_19 = arith.constant 0 : i32
    %dma_start3A_20 = arith.constant 0 : i32
    %dma_start3A_21 = tpu.memref_slice %arg2[%dma_start3A_19, %dma_start3A_20] : memref<1032x256xf32, #tpu.memory_space<hbm>> -> memref<1032x256xf32, #tpu.memory_space<hbm>>
    tpu.enqueue_indirect_dma source(%dma_start3A_21 : memref<1032x256xf32, #tpu.memory_space<hbm>>) target(%dma_start3A_16 : memref<96x256xf32, #tpu.memory_space<vmem>>) offsets(%dma_start3A_18 : memref<96xi32, #tpu.memory_space<vmem>>) semaphore(%arg7 : memref<!tpu.dma_semaphore, #tpu.memory_space<semaphore_mem>>)
    %dma_start3A_22 = arith.constant 2 : i32
    %dma_start3A_23 = arith.constant 0 : i32
    %dma_start3A_24 = arith.constant 0 : i32
    %dma_start3A_25 = tpu.memref_slice %arg6[%dma_start3A_22, %dma_start3A_23, %dma_start3A_24] : memref<3x96x256xf32, #tpu.memory_space<vmem>> -> memref<1x96x256xf32, #tpu.memory_space<vmem>>
    %dma_start3A_26 = tpu.memref_squeeze %dma_start3A_25 : memref<1x96x256xf32, #tpu.memory_space<vmem>> -> memref<96x256xf32, #tpu.memory_space<vmem>>
    %dma_start3A_27 = arith.constant 192 : i32
    %dma_start3A_28 = tpu.memref_slice %arg5[%dma_start3A_27] : memref<576xi32, #tpu.memory_space<vmem>> -> memref<96xi32, #tpu.memory_space<vmem>>
    %dma_start3A_29 = arith.constant 0 : i32
    %dma_start3A_30 = arith.constant 0 : i32
    %dma_start3A_31 = tpu.memref_slice %arg2[%dma_start3A_29, %dma_start3A_30] : memref<1032x256xf32, #tpu.memory_space<hbm>> -> memref<1032x256xf32, #tpu.memory_space<hbm>>
    tpu.enqueue_indirect_dma source(%dma_start3A_31 : memref<1032x256xf32, #tpu.memory_space<hbm>>) target(%dma_start3A_26 : memref<96x256xf32, #tpu.memory_space<vmem>>) offsets(%dma_start3A_28 : memref<96xi32, #tpu.memory_space<vmem>>) semaphore(%arg7 : memref<!tpu.dma_semaphore, #tpu.memory_space<semaphore_mem>>)
    %dma_wait3A = arith.constant 0 : i32
    %dma_wait3A_32 = arith.constant 0 : i32
    %dma_wait3A_33 = arith.constant 0 : i32
    %dma_wait3A_34 = tpu.memref_slice %arg6[%dma_wait3A, %dma_wait3A_32, %dma_wait3A_33] : memref<3x96x256xf32, #tpu.memory_space<vmem>> -> memref<1x96x256xf32, #tpu.memory_space<vmem>>
    %dma_wait3A_35 = tpu.memref_squeeze %dma_wait3A_34 : memref<1x96x256xf32, #tpu.memory_space<vmem>> -> memref<96x256xf32, #tpu.memory_space<vmem>>
    %dma_wait3A_36 = arith.constant 0 : i32
    %dma_wait3A_37 = tpu.memref_slice %arg5[%dma_wait3A_36] : memref<576xi32, #tpu.memory_space<vmem>> -> memref<96xi32, #tpu.memory_space<vmem>>
    %dma_wait3A_38 = arith.constant 0 : i32
    %dma_wait3A_39 = arith.constant 0 : i32
    %dma_wait3A_40 = tpu.memref_slice %arg2[%dma_wait3A_38, %dma_wait3A_39] : memref<1032x256xf32, #tpu.memory_space<hbm>> -> memref<1032x256xf32, #tpu.memory_space<hbm>>
    tpu.wait_indirect_dma semaphore(%arg7 : memref<!tpu.dma_semaphore, #tpu.memory_space<semaphore_mem>>) src(%dma_wait3A_40 : memref<1032x256xf32, #tpu.memory_space<hbm>>) dst(%dma_wait3A_35 : memref<96x256xf32, #tpu.memory_space<vmem>>)
    %add3A_41 = arith.constant 0 : i32
    %add3A_42 = arith.addi %mul3A_2, %add3A_41 : i32
    %dma_start3A_43 = arith.constant 0 : i32
    %dma_start3A_44 = arith.constant 0 : i32
    %dma_start3A_45 = arith.constant 0 : i32
    %dma_start3A_46 = tpu.memref_slice %arg6[%dma_start3A_43, %dma_start3A_44, %dma_start3A_45] : memref<3x96x256xf32, #tpu.memory_space<vmem>> -> memref<1x96x256xf32, #tpu.memory_space<vmem>>
    %dma_start3A_47 = tpu.memref_squeeze %dma_start3A_46 : memref<1x96x256xf32, #tpu.memory_space<vmem>> -> memref<96x256xf32, #tpu.memory_space<vmem>>
    %dma_start3A_48 = arith.constant 0 : i32
    %dma_start3A_49 = tpu.memref_slice %arg4[%add3A_42, %dma_start3A_48] : memref<18432x256xf32, #tpu.memory_space<hbm>> -> memref<96x256xf32, #tpu.memory_space<hbm>>
    %dma_start3A_50 = arith.constant 0 : i32
    %dma_start3A_51 = tpu.memref_slice %arg4[%add3A_42, %dma_start3A_50] : memref<18432x256xf32, #tpu.memory_space<hbm>> -> memref<96x256xf32, #tpu.memory_space<hbm>>
    %dma_start3A_52 = arith.constant 0 : i32
    %dma_start3A_53 = arith.constant 0 : i32
    %dma_start3A_54 = tpu.memref_slice %arg6[%dma_start3A_43, %dma_start3A_52, %dma_start3A_53] : memref<3x96x256xf32, #tpu.memory_space<vmem>> -> memref<1x96x256xf32, #tpu.memory_space<vmem>>
    %dma_start3A_55 = tpu.memref_squeeze %dma_start3A_54 : memref<1x96x256xf32, #tpu.memory_space<vmem>> -> memref<96x256xf32, #tpu.memory_space<vmem>>
    tpu.enqueue_dma source(%dma_start3A_55 : memref<96x256xf32, #tpu.memory_space<vmem>>) target(%dma_start3A_51 : memref<96x256xf32, #tpu.memory_space<hbm>>) target_semaphore(%arg8 : memref<!tpu.dma_semaphore, #tpu.memory_space<semaphore_mem>>)
    %dma_wait3A_56 = arith.constant 0 : i32
    %dma_wait3A_57 = arith.constant 0 : i32
    %dma_wait3A_58 = arith.constant 0 : i32
    %dma_wait3A_59 = tpu.memref_slice %arg6[%dma_wait3A_56, %dma_wait3A_57, %dma_wait3A_58] : memref<3x96x256xf32, #tpu.memory_space<vmem>> -> memref<1x96x256xf32, #tpu.memory_space<vmem>>
    %dma_wait3A_60 = tpu.memref_squeeze %dma_wait3A_59 : memref<1x96x256xf32, #tpu.memory_space<vmem>> -> memref<96x256xf32, #tpu.memory_space<vmem>>
    %dma_wait3A_61 = arith.constant 0 : i32
    %dma_wait3A_62 = tpu.memref_slice %arg4[%add3A_42, %dma_wait3A_61] : memref<18432x256xf32, #tpu.memory_space<hbm>> -> memref<96x256xf32, #tpu.memory_space<hbm>>
    %dma_wait3A_63 = arith.constant 0 : i32
    %dma_wait3A_64 = tpu.memref_slice %arg4[%add3A_42, %dma_wait3A_63] : memref<18432x256xf32, #tpu.memory_space<hbm>> -> memref<96x256xf32, #tpu.memory_space<hbm>>
    %dma_wait3A_65 = arith.constant 0 : i32
    %dma_wait3A_66 = arith.constant 0 : i32
    %dma_wait3A_67 = tpu.memref_slice %arg6[%dma_wait3A_56, %dma_wait3A_65, %dma_wait3A_66] : memref<3x96x256xf32, #tpu.memory_space<vmem>> -> memref<1x96x256xf32, #tpu.memory_space<vmem>>
    %dma_wait3A_68 = tpu.memref_squeeze %dma_wait3A_67 : memref<1x96x256xf32, #tpu.memory_space<vmem>> -> memref<96x256xf32, #tpu.memory_space<vmem>>
    tpu.wait_dma2 semaphore(%arg8 : memref<!tpu.dma_semaphore, #tpu.memory_space<semaphore_mem>>) src(%dma_wait3A_68 : memref<96x256xf32, #tpu.memory_space<vmem>>) dst(%dma_wait3A_64 : memref<96x256xf32, #tpu.memory_space<hbm>>)
    %dma_start3A_69 = arith.constant 0 : i32
    %dma_start3A_70 = arith.constant 0 : i32
    %dma_start3A_71 = arith.constant 0 : i32
    %dma_start3A_72 = tpu.memref_slice %arg6[%dma_start3A_69, %dma_start3A_70, %dma_start3A_71] : memref<3x96x256xf32, #tpu.memory_space<vmem>> -> memref<1x96x256xf32, #tpu.memory_space<vmem>>
    %dma_start3A_73 = tpu.memref_squeeze %dma_start3A_72 : memref<1x96x256xf32, #tpu.memory_space<vmem>> -> memref<96x256xf32, #tpu.memory_space<vmem>>
    %dma_start3A_74 = arith.constant 288 : i32
    %dma_start3A_75 = tpu.memref_slice %arg5[%dma_start3A_74] : memref<576xi32, #tpu.memory_space<vmem>> -> memref<96xi32, #tpu.memory_space<vmem>>
    %dma_start3A_76 = arith.constant 0 : i32
    %dma_start3A_77 = arith.constant 0 : i32
    %dma_start3A_78 = tpu.memref_slice %arg2[%dma_start3A_76, %dma_start3A_77] : memref<1032x256xf32, #tpu.memory_space<hbm>> -> memref<1032x256xf32, #tpu.memory_space<hbm>>
    tpu.enqueue_indirect_dma source(%dma_start3A_78 : memref<1032x256xf32, #tpu.memory_space<hbm>>) target(%dma_start3A_73 : memref<96x256xf32, #tpu.memory_space<vmem>>) offsets(%dma_start3A_75 : memref<96xi32, #tpu.memory_space<vmem>>) semaphore(%arg7 : memref<!tpu.dma_semaphore, #tpu.memory_space<semaphore_mem>>)
    %dma_wait3A_79 = arith.constant 1 : i32
    %dma_wait3A_80 = arith.constant 0 : i32
    %dma_wait3A_81 = arith.constant 0 : i32
    %dma_wait3A_82 = tpu.memref_slice %arg6[%dma_wait3A_79, %dma_wait3A_80, %dma_wait3A_81] : memref<3x96x256xf32, #tpu.memory_space<vmem>> -> memref<1x96x256xf32, #tpu.memory_space<vmem>>
    %dma_wait3A_83 = tpu.memref_squeeze %dma_wait3A_82 : memref<1x96x256xf32, #tpu.memory_space<vmem>> -> memref<96x256xf32, #tpu.memory_space<vmem>>
    %dma_wait3A_84 = arith.constant 96 : i32
    %dma_wait3A_85 = tpu.memref_slice %arg5[%dma_wait3A_84] : memref<576xi32, #tpu.memory_space<vmem>> -> memref<96xi32, #tpu.memory_space<vmem>>
    %dma_wait3A_86 = arith.constant 0 : i32
    %dma_wait3A_87 = arith.constant 0 : i32
    %dma_wait3A_88 = tpu.memref_slice %arg2[%dma_wait3A_86, %dma_wait3A_87] : memref<1032x256xf32, #tpu.memory_space<hbm>> -> memref<1032x256xf32, #tpu.memory_space<hbm>>
    tpu.wait_indirect_dma semaphore(%arg7 : memref<!tpu.dma_semaphore, #tpu.memory_space<semaphore_mem>>) src(%dma_wait3A_88 : memref<1032x256xf32, #tpu.memory_space<hbm>>) dst(%dma_wait3A_83 : memref<96x256xf32, #tpu.memory_space<vmem>>)
    %add3A_89 = arith.constant 96 : i32
    %add3A_90 = arith.addi %mul3A_2, %add3A_89 : i32
    %dma_start3A_91 = arith.constant 1 : i32
    %dma_start3A_92 = arith.constant 0 : i32
    %dma_start3A_93 = arith.constant 0 : i32
    %dma_start3A_94 = tpu.memref_slice %arg6[%dma_start3A_91, %dma_start3A_92, %dma_start3A_93] : memref<3x96x256xf32, #tpu.memory_space<vmem>> -> memref<1x96x256xf32, #tpu.memory_space<vmem>>
    %dma_start3A_95 = tpu.memref_squeeze %dma_start3A_94 : memref<1x96x256xf32, #tpu.memory_space<vmem>> -> memref<96x256xf32, #tpu.memory_space<vmem>>
    %dma_start3A_96 = arith.constant 0 : i32
    %dma_start3A_97 = tpu.memref_slice %arg4[%add3A_90, %dma_start3A_96] : memref<18432x256xf32, #tpu.memory_space<hbm>> -> memref<96x256xf32, #tpu.memory_space<hbm>>
    %dma_start3A_98 = arith.constant 0 : i32
    %dma_start3A_99 = tpu.memref_slice %arg4[%add3A_90, %dma_start3A_98] : memref<18432x256xf32, #tpu.memory_space<hbm>> -> memref<96x256xf32, #tpu.memory_space<hbm>>
    %dma_start3A_100 = arith.constant 0 : i32
    %dma_start3A_101 = arith.constant 0 : i32
    %dma_start3A_102 = tpu.memref_slice %arg6[%dma_start3A_91, %dma_start3A_100, %dma_start3A_101] : memref<3x96x256xf32, #tpu.memory_space<vmem>> -> memref<1x96x256xf32, #tpu.memory_space<vmem>>
    %dma_start3A_103 = tpu.memref_squeeze %dma_start3A_102 : memref<1x96x256xf32, #tpu.memory_space<vmem>> -> memref<96x256xf32, #tpu.memory_space<vmem>>
    tpu.enqueue_dma source(%dma_start3A_103 : memref<96x256xf32, #tpu.memory_space<vmem>>) target(%dma_start3A_99 : memref<96x256xf32, #tpu.memory_space<hbm>>) target_semaphore(%arg8 : memref<!tpu.dma_semaphore, #tpu.memory_space<semaphore_mem>>)
    %dma_wait3A_104 = arith.constant 1 : i32
    %dma_wait3A_105 = arith.constant 0 : i32
    %dma_wait3A_106 = arith.constant 0 : i32
    %dma_wait3A_107 = tpu.memref_slice %arg6[%dma_wait3A_104, %dma_wait3A_105, %dma_wait3A_106] : memref<3x96x256xf32, #tpu.memory_space<vmem>> -> memref<1x96x256xf32, #tpu.memory_space<vmem>>
    %dma_wait3A_108 = tpu.memref_squeeze %dma_wait3A_107 : memref<1x96x256xf32, #tpu.memory_space<vmem>> -> memref<96x256xf32, #tpu.memory_space<vmem>>
    %dma_wait3A_109 = arith.constant 0 : i32
    %dma_wait3A_110 = tpu.memref_slice %arg4[%add3A_90, %dma_wait3A_109] : memref<18432x256xf32, #tpu.memory_space<hbm>> -> memref<96x256xf32, #tpu.memory_space<hbm>>
    %dma_wait3A_111 = arith.constant 0 : i32
    %dma_wait3A_112 = tpu.memref_slice %arg4[%add3A_90, %dma_wait3A_111] : memref<18432x256xf32, #tpu.memory_space<hbm>> -> memref<96x256xf32, #tpu.memory_space<hbm>>
    %dma_wait3A_113 = arith.constant 0 : i32
    %dma_wait3A_114 = arith.constant 0 : i32
    %dma_wait3A_115 = tpu.memref_slice %arg6[%dma_wait3A_104, %dma_wait3A_113, %dma_wait3A_114] : memref<3x96x256xf32, #tpu.memory_space<vmem>> -> memref<1x96x256xf32, #tpu.memory_space<vmem>>
    %dma_wait3A_116 = tpu.memref_squeeze %dma_wait3A_115 : memref<1x96x256xf32, #tpu.memory_space<vmem>> -> memref<96x256xf32, #tpu.memory_space<vmem>>
    tpu.wait_dma2 semaphore(%arg8 : memref<!tpu.dma_semaphore, #tpu.memory_space<semaphore_mem>>) src(%dma_wait3A_116 : memref<96x256xf32, #tpu.memory_space<vmem>>) dst(%dma_wait3A_112 : memref<96x256xf32, #tpu.memory_space<hbm>>)
    %dma_start3A_117 = arith.constant 1 : i32
    %dma_start3A_118 = arith.constant 0 : i32
    %dma_start3A_119 = arith.constant 0 : i32
    %dma_start3A_120 = tpu.memref_slice %arg6[%dma_start3A_117, %dma_start3A_118, %dma_start3A_119] : memref<3x96x256xf32, #tpu.memory_space<vmem>> -> memref<1x96x256xf32, #tpu.memory_space<vmem>>
    %dma_start3A_121 = tpu.memref_squeeze %dma_start3A_120 : memref<1x96x256xf32, #tpu.memory_space<vmem>> -> memref<96x256xf32, #tpu.memory_space<vmem>>
    %dma_start3A_122 = arith.constant 384 : i32
    %dma_start3A_123 = tpu.memref_slice %arg5[%dma_start3A_122] : memref<576xi32, #tpu.memory_space<vmem>> -> memref<96xi32, #tpu.memory_space<vmem>>
    %dma_start3A_124 = arith.constant 0 : i32
    %dma_start3A_125 = arith.constant 0 : i32
    %dma_start3A_126 = tpu.memref_slice %arg2[%dma_start3A_124, %dma_start3A_125] : memref<1032x256xf32, #tpu.memory_space<hbm>> -> memref<1032x256xf32, #tpu.memory_space<hbm>>
    tpu.enqueue_indirect_dma source(%dma_start3A_126 : memref<1032x256xf32, #tpu.memory_space<hbm>>) target(%dma_start3A_121 : memref<96x256xf32, #tpu.memory_space<vmem>>) offsets(%dma_start3A_123 : memref<96xi32, #tpu.memory_space<vmem>>) semaphore(%arg7 : memref<!tpu.dma_semaphore, #tpu.memory_space<semaphore_mem>>)
    %dma_wait3A_127 = arith.constant 2 : i32
    %dma_wait3A_128 = arith.constant 0 : i32
    %dma_wait3A_129 = arith.constant 0 : i32
    %dma_wait3A_130 = tpu.memref_slice %arg6[%dma_wait3A_127, %dma_wait3A_128, %dma_wait3A_129] : memref<3x96x256xf32, #tpu.memory_space<vmem>> -> memref<1x96x256xf32, #tpu.memory_space<vmem>>
    %dma_wait3A_131 = tpu.memref_squeeze %dma_wait3A_130 : memref<1x96x256xf32, #tpu.memory_space<vmem>> -> memref<96x256xf32, #tpu.memory_space<vmem>>
    %dma_wait3A_132 = arith.constant 192 : i32
    %dma_wait3A_133 = tpu.memref_slice %arg5[%dma_wait3A_132] : memref<576xi32, #tpu.memory_space<vmem>> -> memref<96xi32, #tpu.memory_space<vmem>>
    %dma_wait3A_134 = arith.constant 0 : i32
    %dma_wait3A_135 = arith.constant 0 : i32
    %dma_wait3A_136 = tpu.memref_slice %arg2[%dma_wait3A_134, %dma_wait3A_135] : memref<1032x256xf32, #tpu.memory_space<hbm>> -> memref<1032x256xf32, #tpu.memory_space<hbm>>
    tpu.wait_indirect_dma semaphore(%arg7 : memref<!tpu.dma_semaphore, #tpu.memory_space<semaphore_mem>>) src(%dma_wait3A_136 : memref<1032x256xf32, #tpu.memory_space<hbm>>) dst(%dma_wait3A_131 : memref<96x256xf32, #tpu.memory_space<vmem>>)
    %add3A_137 = arith.constant 192 : i32
    %add3A_138 = arith.addi %mul3A_2, %add3A_137 : i32
    %dma_start3A_139 = arith.constant 2 : i32
    %dma_start3A_140 = arith.constant 0 : i32
    %dma_start3A_141 = arith.constant 0 : i32
    %dma_start3A_142 = tpu.memref_slice %arg6[%dma_start3A_139, %dma_start3A_140, %dma_start3A_141] : memref<3x96x256xf32, #tpu.memory_space<vmem>> -> memref<1x96x256xf32, #tpu.memory_space<vmem>>
    %dma_start3A_143 = tpu.memref_squeeze %dma_start3A_142 : memref<1x96x256xf32, #tpu.memory_space<vmem>> -> memref<96x256xf32, #tpu.memory_space<vmem>>
    %dma_start3A_144 = arith.constant 0 : i32
    %dma_start3A_145 = tpu.memref_slice %arg4[%add3A_138, %dma_start3A_144] : memref<18432x256xf32, #tpu.memory_space<hbm>> -> memref<96x256xf32, #tpu.memory_space<hbm>>
    %dma_start3A_146 = arith.constant 0 : i32
    %dma_start3A_147 = tpu.memref_slice %arg4[%add3A_138, %dma_start3A_146] : memref<18432x256xf32, #tpu.memory_space<hbm>> -> memref<96x256xf32, #tpu.memory_space<hbm>>
    %dma_start3A_148 = arith.constant 0 : i32
    %dma_start3A_149 = arith.constant 0 : i32
    %dma_start3A_150 = tpu.memref_slice %arg6[%dma_start3A_139, %dma_start3A_148, %dma_start3A_149] : memref<3x96x256xf32, #tpu.memory_space<vmem>> -> memref<1x96x256xf32, #tpu.memory_space<vmem>>
    %dma_start3A_151 = tpu.memref_squeeze %dma_start3A_150 : memref<1x96x256xf32, #tpu.memory_space<vmem>> -> memref<96x256xf32, #tpu.memory_space<vmem>>
    tpu.enqueue_dma source(%dma_start3A_151 : memref<96x256xf32, #tpu.memory_space<vmem>>) target(%dma_start3A_147 : memref<96x256xf32, #tpu.memory_space<hbm>>) target_semaphore(%arg8 : memref<!tpu.dma_semaphore, #tpu.memory_space<semaphore_mem>>)
    %dma_wait3A_152 = arith.constant 2 : i32
    %dma_wait3A_153 = arith.constant 0 : i32
    %dma_wait3A_154 = arith.constant 0 : i32
    %dma_wait3A_155 = tpu.memref_slice %arg6[%dma_wait3A_152, %dma_wait3A_153, %dma_wait3A_154] : memref<3x96x256xf32, #tpu.memory_space<vmem>> -> memref<1x96x256xf32, #tpu.memory_space<vmem>>
    %dma_wait3A_156 = tpu.memref_squeeze %dma_wait3A_155 : memref<1x96x256xf32, #tpu.memory_space<vmem>> -> memref<96x256xf32, #tpu.memory_space<vmem>>
    %dma_wait3A_157 = arith.constant 0 : i32
    %dma_wait3A_158 = tpu.memref_slice %arg4[%add3A_138, %dma_wait3A_157] : memref<18432x256xf32, #tpu.memory_space<hbm>> -> memref<96x256xf32, #tpu.memory_space<hbm>>
    %dma_wait3A_159 = arith.constant 0 : i32
    %dma_wait3A_160 = tpu.memref_slice %arg4[%add3A_138, %dma_wait3A_159] : memref<18432x256xf32, #tpu.memory_space<hbm>> -> memref<96x256xf32, #tpu.memory_space<hbm>>
    %dma_wait3A_161 = arith.constant 0 : i32
    %dma_wait3A_162 = arith.constant 0 : i32
    %dma_wait3A_163 = tpu.memref_slice %arg6[%dma_wait3A_152, %dma_wait3A_161, %dma_wait3A_162] : memref<3x96x256xf32, #tpu.memory_space<vmem>> -> memref<1x96x256xf32, #tpu.memory_space<vmem>>
    %dma_wait3A_164 = tpu.memref_squeeze %dma_wait3A_163 : memref<1x96x256xf32, #tpu.memory_space<vmem>> -> memref<96x256xf32, #tpu.memory_space<vmem>>
    tpu.wait_dma2 semaphore(%arg8 : memref<!tpu.dma_semaphore, #tpu.memory_space<semaphore_mem>>) src(%dma_wait3A_164 : memref<96x256xf32, #tpu.memory_space<vmem>>) dst(%dma_wait3A_160 : memref<96x256xf32, #tpu.memory_space<hbm>>)
    %dma_start3A_165 = arith.constant 2 : i32
    %dma_start3A_166 = arith.constant 0 : i32
    %dma_start3A_167 = arith.constant 0 : i32
    %dma_start3A_168 = tpu.memref_slice %arg6[%dma_start3A_165, %dma_start3A_166, %dma_start3A_167] : memref<3x96x256xf32, #tpu.memory_space<vmem>> -> memref<1x96x256xf32, #tpu.memory_space<vmem>>
    %dma_start3A_169 = tpu.memref_squeeze %dma_start3A_168 : memref<1x96x256xf32, #tpu.memory_space<vmem>> -> memref<96x256xf32, #tpu.memory_space<vmem>>
    %dma_start3A_170 = arith.constant 480 : i32
    %dma_start3A_171 = tpu.memref_slice %arg5[%dma_start3A_170] : memref<576xi32, #tpu.memory_space<vmem>> -> memref<96xi32, #tpu.memory_space<vmem>>
    %dma_start3A_172 = arith.constant 0 : i32
    %dma_start3A_173 = arith.constant 0 : i32
    %dma_start3A_174 = tpu.memref_slice %arg2[%dma_start3A_172, %dma_start3A_173] : memref<1032x256xf32, #tpu.memory_space<hbm>> -> memref<1032x256xf32, #tpu.memory_space<hbm>>
    tpu.enqueue_indirect_dma source(%dma_start3A_174 : memref<1032x256xf32, #tpu.memory_space<hbm>>) target(%dma_start3A_169 : memref<96x256xf32, #tpu.memory_space<vmem>>) offsets(%dma_start3A_171 : memref<96xi32, #tpu.memory_space<vmem>>) semaphore(%arg7 : memref<!tpu.dma_semaphore, #tpu.memory_space<semaphore_mem>>)
    %dma_wait3A_175 = arith.constant 0 : i32
    %dma_wait3A_176 = arith.constant 0 : i32
    %dma_wait3A_177 = arith.constant 0 : i32
    %dma_wait3A_178 = tpu.memref_slice %arg6[%dma_wait3A_175, %dma_wait3A_176, %dma_wait3A_177] : memref<3x96x256xf32, #tpu.memory_space<vmem>> -> memref<1x96x256xf32, #tpu.memory_space<vmem>>
    %dma_wait3A_179 = tpu.memref_squeeze %dma_wait3A_178 : memref<1x96x256xf32, #tpu.memory_space<vmem>> -> memref<96x256xf32, #tpu.memory_space<vmem>>
    %dma_wait3A_180 = arith.constant 288 : i32
    %dma_wait3A_181 = tpu.memref_slice %arg5[%dma_wait3A_180] : memref<576xi32, #tpu.memory_space<vmem>> -> memref<96xi32, #tpu.memory_space<vmem>>
    %dma_wait3A_182 = arith.constant 0 : i32
    %dma_wait3A_183 = arith.constant 0 : i32
    %dma_wait3A_184 = tpu.memref_slice %arg2[%dma_wait3A_182, %dma_wait3A_183] : memref<1032x256xf32, #tpu.memory_space<hbm>> -> memref<1032x256xf32, #tpu.memory_space<hbm>>
    tpu.wait_indirect_dma semaphore(%arg7 : memref<!tpu.dma_semaphore, #tpu.memory_space<semaphore_mem>>) src(%dma_wait3A_184 : memref<1032x256xf32, #tpu.memory_space<hbm>>) dst(%dma_wait3A_179 : memref<96x256xf32, #tpu.memory_space<vmem>>)
    %add3A_185 = arith.constant 288 : i32
    %add3A_186 = arith.addi %mul3A_2, %add3A_185 : i32
    %dma_start3A_187 = arith.constant 0 : i32
    %dma_start3A_188 = arith.constant 0 : i32
    %dma_start3A_189 = arith.constant 0 : i32
    %dma_start3A_190 = tpu.memref_slice %arg6[%dma_start3A_187, %dma_start3A_188, %dma_start3A_189] : memref<3x96x256xf32, #tpu.memory_space<vmem>> -> memref<1x96x256xf32, #tpu.memory_space<vmem>>
    %dma_start3A_191 = tpu.memref_squeeze %dma_start3A_190 : memref<1x96x256xf32, #tpu.memory_space<vmem>> -> memref<96x256xf32, #tpu.memory_space<vmem>>
    %dma_start3A_192 = arith.constant 0 : i32
    %dma_start3A_193 = tpu.memref_slice %arg4[%add3A_186, %dma_start3A_192] : memref<18432x256xf32, #tpu.memory_space<hbm>> -> memref<96x256xf32, #tpu.memory_space<hbm>>
    %dma_start3A_194 = arith.constant 0 : i32
    %dma_start3A_195 = tpu.memref_slice %arg4[%add3A_186, %dma_start3A_194] : memref<18432x256xf32, #tpu.memory_space<hbm>> -> memref<96x256xf32, #tpu.memory_space<hbm>>
    %dma_start3A_196 = arith.constant 0 : i32
    %dma_start3A_197 = arith.constant 0 : i32
    %dma_start3A_198 = tpu.memref_slice %arg6[%dma_start3A_187, %dma_start3A_196, %dma_start3A_197] : memref<3x96x256xf32, #tpu.memory_space<vmem>> -> memref<1x96x256xf32, #tpu.memory_space<vmem>>
    %dma_start3A_199 = tpu.memref_squeeze %dma_start3A_198 : memref<1x96x256xf32, #tpu.memory_space<vmem>> -> memref<96x256xf32, #tpu.memory_space<vmem>>
    tpu.enqueue_dma source(%dma_start3A_199 : memref<96x256xf32, #tpu.memory_space<vmem>>) target(%dma_start3A_195 : memref<96x256xf32, #tpu.memory_space<hbm>>) target_semaphore(%arg8 : memref<!tpu.dma_semaphore, #tpu.memory_space<semaphore_mem>>)
    %dma_wait3A_200 = arith.constant 1 : i32
    %dma_wait3A_201 = arith.constant 0 : i32
    %dma_wait3A_202 = arith.constant 0 : i32
    %dma_wait3A_203 = tpu.memref_slice %arg6[%dma_wait3A_200, %dma_wait3A_201, %dma_wait3A_202] : memref<3x96x256xf32, #tpu.memory_space<vmem>> -> memref<1x96x256xf32, #tpu.memory_space<vmem>>
    %dma_wait3A_204 = tpu.memref_squeeze %dma_wait3A_203 : memref<1x96x256xf32, #tpu.memory_space<vmem>> -> memref<96x256xf32, #tpu.memory_space<vmem>>
    %dma_wait3A_205 = arith.constant 384 : i32
    %dma_wait3A_206 = tpu.memref_slice %arg5[%dma_wait3A_205] : memref<576xi32, #tpu.memory_space<vmem>> -> memref<96xi32, #tpu.memory_space<vmem>>
    %dma_wait3A_207 = arith.constant 0 : i32
    %dma_wait3A_208 = arith.constant 0 : i32
    %dma_wait3A_209 = tpu.memref_slice %arg2[%dma_wait3A_207, %dma_wait3A_208] : memref<1032x256xf32, #tpu.memory_space<hbm>> -> memref<1032x256xf32, #tpu.memory_space<hbm>>
    tpu.wait_indirect_dma semaphore(%arg7 : memref<!tpu.dma_semaphore, #tpu.memory_space<semaphore_mem>>) src(%dma_wait3A_209 : memref<1032x256xf32, #tpu.memory_space<hbm>>) dst(%dma_wait3A_204 : memref<96x256xf32, #tpu.memory_space<vmem>>)
    %add3A_210 = arith.constant 384 : i32
    %add3A_211 = arith.addi %mul3A_2, %add3A_210 : i32
    %dma_start3A_212 = arith.constant 1 : i32
    %dma_start3A_213 = arith.constant 0 : i32
    %dma_start3A_214 = arith.constant 0 : i32
    %dma_start3A_215 = tpu.memref_slice %arg6[%dma_start3A_212, %dma_start3A_213, %dma_start3A_214] : memref<3x96x256xf32, #tpu.memory_space<vmem>> -> memref<1x96x256xf32, #tpu.memory_space<vmem>>
    %dma_start3A_216 = tpu.memref_squeeze %dma_start3A_215 : memref<1x96x256xf32, #tpu.memory_space<vmem>> -> memref<96x256xf32, #tpu.memory_space<vmem>>
    %dma_start3A_217 = arith.constant 0 : i32
    %dma_start3A_218 = tpu.memref_slice %arg4[%add3A_211, %dma_start3A_217] : memref<18432x256xf32, #tpu.memory_space<hbm>> -> memref<96x256xf32, #tpu.memory_space<hbm>>
    %dma_start3A_219 = arith.constant 0 : i32
    %dma_start3A_220 = tpu.memref_slice %arg4[%add3A_211, %dma_start3A_219] : memref<18432x256xf32, #tpu.memory_space<hbm>> -> memref<96x256xf32, #tpu.memory_space<hbm>>
    %dma_start3A_221 = arith.constant 0 : i32
    %dma_start3A_222 = arith.constant 0 : i32
    %dma_start3A_223 = tpu.memref_slice %arg6[%dma_start3A_212, %dma_start3A_221, %dma_start3A_222] : memref<3x96x256xf32, #tpu.memory_space<vmem>> -> memref<1x96x256xf32, #tpu.memory_space<vmem>>
    %dma_start3A_224 = tpu.memref_squeeze %dma_start3A_223 : memref<1x96x256xf32, #tpu.memory_space<vmem>> -> memref<96x256xf32, #tpu.memory_space<vmem>>
    tpu.enqueue_dma source(%dma_start3A_224 : memref<96x256xf32, #tpu.memory_space<vmem>>) target(%dma_start3A_220 : memref<96x256xf32, #tpu.memory_space<hbm>>) target_semaphore(%arg8 : memref<!tpu.dma_semaphore, #tpu.memory_space<semaphore_mem>>)
    %dma_wait3A_225 = arith.constant 2 : i32
    %dma_wait3A_226 = arith.constant 0 : i32
    %dma_wait3A_227 = arith.constant 0 : i32
    %dma_wait3A_228 = tpu.memref_slice %arg6[%dma_wait3A_225, %dma_wait3A_226, %dma_wait3A_227] : memref<3x96x256xf32, #tpu.memory_space<vmem>> -> memref<1x96x256xf32, #tpu.memory_space<vmem>>
    %dma_wait3A_229 = tpu.memref_squeeze %dma_wait3A_228 : memref<1x96x256xf32, #tpu.memory_space<vmem>> -> memref<96x256xf32, #tpu.memory_space<vmem>>
    %dma_wait3A_230 = arith.constant 480 : i32
    %dma_wait3A_231 = tpu.memref_slice %arg5[%dma_wait3A_230] : memref<576xi32, #tpu.memory_space<vmem>> -> memref<96xi32, #tpu.memory_space<vmem>>
    %dma_wait3A_232 = arith.constant 0 : i32
    %dma_wait3A_233 = arith.constant 0 : i32
    %dma_wait3A_234 = tpu.memref_slice %arg2[%dma_wait3A_232, %dma_wait3A_233] : memref<1032x256xf32, #tpu.memory_space<hbm>> -> memref<1032x256xf32, #tpu.memory_space<hbm>>
    tpu.wait_indirect_dma semaphore(%arg7 : memref<!tpu.dma_semaphore, #tpu.memory_space<semaphore_mem>>) src(%dma_wait3A_234 : memref<1032x256xf32, #tpu.memory_space<hbm>>) dst(%dma_wait3A_229 : memref<96x256xf32, #tpu.memory_space<vmem>>)
    %add3A_235 = arith.constant 480 : i32
    %add3A_236 = arith.addi %mul3A_2, %add3A_235 : i32
    %dma_start3A_237 = arith.constant 2 : i32
    %dma_start3A_238 = arith.constant 0 : i32
    %dma_start3A_239 = arith.constant 0 : i32
    %dma_start3A_240 = tpu.memref_slice %arg6[%dma_start3A_237, %dma_start3A_238, %dma_start3A_239] : memref<3x96x256xf32, #tpu.memory_space<vmem>> -> memref<1x96x256xf32, #tpu.memory_space<vmem>>
    %dma_start3A_241 = tpu.memref_squeeze %dma_start3A_240 : memref<1x96x256xf32, #tpu.memory_space<vmem>> -> memref<96x256xf32, #tpu.memory_space<vmem>>
    %dma_start3A_242 = arith.constant 0 : i32
    %dma_start3A_243 = tpu.memref_slice %arg4[%add3A_236, %dma_start3A_242] : memref<18432x256xf32, #tpu.memory_space<hbm>> -> memref<96x256xf32, #tpu.memory_space<hbm>>
    %dma_start3A_244 = arith.constant 0 : i32
    %dma_start3A_245 = tpu.memref_slice %arg4[%add3A_236, %dma_start3A_244] : memref<18432x256xf32, #tpu.memory_space<hbm>> -> memref<96x256xf32, #tpu.memory_space<hbm>>
    %dma_start3A_246 = arith.constant 0 : i32
    %dma_start3A_247 = arith.constant 0 : i32
    %dma_start3A_248 = tpu.memref_slice %arg6[%dma_start3A_237, %dma_start3A_246, %dma_start3A_247] : memref<3x96x256xf32, #tpu.memory_space<vmem>> -> memref<1x96x256xf32, #tpu.memory_space<vmem>>
    %dma_start3A_249 = tpu.memref_squeeze %dma_start3A_248 : memref<1x96x256xf32, #tpu.memory_space<vmem>> -> memref<96x256xf32, #tpu.memory_space<vmem>>
    tpu.enqueue_dma source(%dma_start3A_249 : memref<96x256xf32, #tpu.memory_space<vmem>>) target(%dma_start3A_245 : memref<96x256xf32, #tpu.memory_space<hbm>>) target_semaphore(%arg8 : memref<!tpu.dma_semaphore, #tpu.memory_space<semaphore_mem>>)
    %dma_wait3A_250 = arith.constant 0 : i32
    %dma_wait3A_251 = arith.constant 0 : i32
    %dma_wait3A_252 = arith.constant 0 : i32
    %dma_wait3A_253 = tpu.memref_slice %arg6[%dma_wait3A_250, %dma_wait3A_251, %dma_wait3A_252] : memref<3x96x256xf32, #tpu.memory_space<vmem>> -> memref<1x96x256xf32, #tpu.memory_space<vmem>>
    %dma_wait3A_254 = tpu.memref_squeeze %dma_wait3A_253 : memref<1x96x256xf32, #tpu.memory_space<vmem>> -> memref<96x256xf32, #tpu.memory_space<vmem>>
    %dma_wait3A_255 = arith.constant 0 : i32
    %dma_wait3A_256 = tpu.memref_slice %arg4[%add3A_186, %dma_wait3A_255] : memref<18432x256xf32, #tpu.memory_space<hbm>> -> memref<96x256xf32, #tpu.memory_space<hbm>>
    %dma_wait3A_257 = arith.constant 0 : i32
    %dma_wait3A_258 = tpu.memref_slice %arg4[%add3A_186, %dma_wait3A_257] : memref<18432x256xf32, #tpu.memory_space<hbm>> -> memref<96x256xf32, #tpu.memory_space<hbm>>
    %dma_wait3A_259 = arith.constant 0 : i32
    %dma_wait3A_260 = arith.constant 0 : i32
    %dma_wait3A_261 = tpu.memref_slice %arg6[%dma_wait3A_250, %dma_wait3A_259, %dma_wait3A_260] : memref<3x96x256xf32, #tpu.memory_space<vmem>> -> memref<1x96x256xf32, #tpu.memory_space<vmem>>
    %dma_wait3A_262 = tpu.memref_squeeze %dma_wait3A_261 : memref<1x96x256xf32, #tpu.memory_space<vmem>> -> memref<96x256xf32, #tpu.memory_space<vmem>>
    tpu.wait_dma2 semaphore(%arg8 : memref<!tpu.dma_semaphore, #tpu.memory_space<semaphore_mem>>) src(%dma_wait3A_262 : memref<96x256xf32, #tpu.memory_space<vmem>>) dst(%dma_wait3A_258 : memref<96x256xf32, #tpu.memory_space<hbm>>)
    %dma_wait3A_263 = arith.constant 1 : i32
    %dma_wait3A_264 = arith.constant 0 : i32
    %dma_wait3A_265 = arith.constant 0 : i32
    %dma_wait3A_266 = tpu.memref_slice %arg6[%dma_wait3A_263, %dma_wait3A_264, %dma_wait3A_265] : memref<3x96x256xf32, #tpu.memory_space<vmem>> -> memref<1x96x256xf32, #tpu.memory_space<vmem>>
    %dma_wait3A_267 = tpu.memref_squeeze %dma_wait3A_266 : memref<1x96x256xf32, #tpu.memory_space<vmem>> -> memref<96x256xf32, #tpu.memory_space<vmem>>
    %dma_wait3A_268 = arith.constant 0 : i32
    %dma_wait3A_269 = tpu.memref_slice %arg4[%add3A_211, %dma_wait3A_268] : memref<18432x256xf32, #tpu.memory_space<hbm>> -> memref<96x256xf32, #tpu.memory_space<hbm>>
    %dma_wait3A_270 = arith.constant 0 : i32
    %dma_wait3A_271 = tpu.memref_slice %arg4[%add3A_211, %dma_wait3A_270] : memref<18432x256xf32, #tpu.memory_space<hbm>> -> memref<96x256xf32, #tpu.memory_space<hbm>>
    %dma_wait3A_272 = arith.constant 0 : i32
    %dma_wait3A_273 = arith.constant 0 : i32
    %dma_wait3A_274 = tpu.memref_slice %arg6[%dma_wait3A_263, %dma_wait3A_272, %dma_wait3A_273] : memref<3x96x256xf32, #tpu.memory_space<vmem>> -> memref<1x96x256xf32, #tpu.memory_space<vmem>>
    %dma_wait3A_275 = tpu.memref_squeeze %dma_wait3A_274 : memref<1x96x256xf32, #tpu.memory_space<vmem>> -> memref<96x256xf32, #tpu.memory_space<vmem>>
    tpu.wait_dma2 semaphore(%arg8 : memref<!tpu.dma_semaphore, #tpu.memory_space<semaphore_mem>>) src(%dma_wait3A_275 : memref<96x256xf32, #tpu.memory_space<vmem>>) dst(%dma_wait3A_271 : memref<96x256xf32, #tpu.memory_space<hbm>>)
    %dma_wait3A_276 = arith.constant 2 : i32
    %dma_wait3A_277 = arith.constant 0 : i32
    %dma_wait3A_278 = arith.constant 0 : i32
    %dma_wait3A_279 = tpu.memref_slice %arg6[%dma_wait3A_276, %dma_wait3A_277, %dma_wait3A_278] : memref<3x96x256xf32, #tpu.memory_space<vmem>> -> memref<1x96x256xf32, #tpu.memory_space<vmem>>
    %dma_wait3A_280 = tpu.memref_squeeze %dma_wait3A_279 : memref<1x96x256xf32, #tpu.memory_space<vmem>> -> memref<96x256xf32, #tpu.memory_space<vmem>>
    %dma_wait3A_281 = arith.constant 0 : i32
    %dma_wait3A_282 = tpu.memref_slice %arg4[%add3A_236, %dma_wait3A_281] : memref<18432x256xf32, #tpu.memory_space<hbm>> -> memref<96x256xf32, #tpu.memory_space<hbm>>
    %dma_wait3A_283 = arith.constant 0 : i32
    %dma_wait3A_284 = tpu.memref_slice %arg4[%add3A_236, %dma_wait3A_283] : memref<18432x256xf32, #tpu.memory_space<hbm>> -> memref<96x256xf32, #tpu.memory_space<hbm>>
    %dma_wait3A_285 = arith.constant 0 : i32
    %dma_wait3A_286 = arith.constant 0 : i32
    %dma_wait3A_287 = tpu.memref_slice %arg6[%dma_wait3A_276, %dma_wait3A_285, %dma_wait3A_286] : memref<3x96x256xf32, #tpu.memory_space<vmem>> -> memref<1x96x256xf32, #tpu.memory_space<vmem>>
    %dma_wait3A_288 = tpu.memref_squeeze %dma_wait3A_287 : memref<1x96x256xf32, #tpu.memory_space<vmem>> -> memref<96x256xf32, #tpu.memory_space<vmem>>
    tpu.wait_dma2 semaphore(%arg8 : memref<!tpu.dma_semaphore, #tpu.memory_space<semaphore_mem>>) src(%dma_wait3A_288 : memref<96x256xf32, #tpu.memory_space<vmem>>) dst(%dma_wait3A_284 : memref<96x256xf32, #tpu.memory_space<hbm>>)
    return
  }
}

module attributes {stable_mosaic.version = 14 : i64} {
  func.func @_vq_tc_body(%arg0: i32, %arg1: memref<2048x256xf32, #tpu.memory_space<vmem>>, %arg2: memref<1024x256xf32, #tpu.memory_space<vmem>>, %arg3: memref<1x1x2048xf32, #tpu.memory_space<vmem>>, %arg4: memref<1x1x2048xi32, #tpu.memory_space<vmem>>, %arg5: memref<1x1x2048xi32, #tpu.memory_space<vmem>>, %arg6: memref<1xf32, #tpu.memory_space<smem>>, %arg7: memref<1032x256xf32, #tpu.memory_space<vmem>>, %arg8: memref<1x1024xf32, #tpu.memory_space<vmem>>, %arg9: memref<2xf32, #tpu.memory_space<smem>>) attributes {dimension_semantics = [#tpu.dimension_semantics<arbitrary>], iteration_bounds = array<i64: 9>, scalar_prefetch = 0 : i64, scratch_operands = 2 : i64, tpu.core_type = #tpu.core_type<tc>, window_params = [{transform_indices = @transform_0, window_bounds = array<i64: 2048, 256>}, {pipeline_mode = #tpu.pipeline_mode<synchronous>, transform_indices = @transform_1, window_bounds = array<i64: 1024, 256>}, {transform_indices = @transform_2, window_bounds = array<i64: 1, 1, 2048>}, {transform_indices = @transform_3, window_bounds = array<i64: 1, 1, 2048>}, {transform_indices = @transform_4, window_bounds = array<i64: 1, 1, 2048>}, {transform_indices = @transform_5, window_bounds = array<i64: 1>}, {pipeline_mode = #tpu.pipeline_mode<synchronous>, transform_indices = @transform_6, window_bounds = array<i64: 1032, 256>}]} {
    %get3A = arith.constant 0 : index
    %get3A_0 = arith.constant 0 : index
    %get3A_1 = vector.load %arg2[%get3A, %get3A_0] : memref<1024x256xf32, #tpu.memory_space<vmem>>, vector<1024x256xf32>
    %eq3A = arith.constant 0 : i32
    %eq3A_2 = arith.cmpi eq, %arg0, %eq3A : i32
    %convert_element_type3A = arith.extui %eq3A_2 : i1 to i32
    %cond3A = arith.constant 0 : i32
    %cond3A_3 = arith.cmpi ne, %convert_element_type3A, %cond3A : i32
    scf.if %cond3A_3 {
      %mul3A_83 = arith.mulf %get3A_1, %get3A_1 : vector<1024x256xf32>
      %reduce_sum3A_84 = arith.constant dense<0.000000e+00> : vector<1024xf32>
      %reduce_sum3A_85 = vector.multi_reduction <add>, %mul3A_83, %reduce_sum3A_84 [1] : vector<1024x256xf32> to vector<1024xf32>
      %broadcast_in_dim3A_86 = vector.shape_cast %reduce_sum3A_85 : vector<1024xf32> to vector<1x1024xf32>
      %swap3A_87 = arith.constant 0 : index
      %swap3A_88 = arith.constant 0 : index
      %swap3A_89 = vector.load %arg8[%swap3A_87, %swap3A_88] : memref<1x1024xf32, #tpu.memory_space<vmem>>, vector<1x1024xf32>
      tpu.vector_store %arg8[%swap3A_87, %swap3A_88], %broadcast_in_dim3A_86 {strides = array<i32>} : memref<1x1024xf32, #tpu.memory_space<vmem>>, vector<1x1024xf32>,
      %swap3A_90 = arith.constant 0.000000e+00 : f32
      %swap3A_91 = arith.constant 0 : index
      %swap3A_92 = memref.load %arg9[%swap3A_91] : memref<2xf32, #tpu.memory_space<smem>>
      memref.store %swap3A_90, %arg9[%swap3A_91] : memref<2xf32, #tpu.memory_space<smem>>
      %swap3A_93 = arith.constant 0.000000e+00 : f32
      %swap3A_94 = arith.constant 1 : index
      %swap3A_95 = memref.load %arg9[%swap3A_94] : memref<2xf32, #tpu.memory_space<smem>>
      memref.store %swap3A_93, %arg9[%swap3A_94] : memref<2xf32, #tpu.memory_space<smem>>
      %broadcast_in_dim3A_96 = arith.constant 0.000000e+00 : f32
      %broadcast_in_dim3A_97 = vector.broadcast %broadcast_in_dim3A_96 : f32 to vector<8x256xf32>
      %concatenate3A = tpu.concatenate %get3A_1, %broadcast_in_dim3A_97 in 0 : vector<1024x256xf32>, vector<8x256xf32> -> vector<1032x256xf32>
      %swap3A_98 = arith.constant 0 : index
      %swap3A_99 = arith.constant 0 : index
      %swap3A_100 = vector.load %arg7[%swap3A_98, %swap3A_99] : memref<1032x256xf32, #tpu.memory_space<vmem>>, vector<1032x256xf32>
      tpu.vector_store %arg7[%swap3A_98, %swap3A_99], %concatenate3A {strides = array<i32>} : memref<1032x256xf32, #tpu.memory_space<vmem>>, vector<1032x256xf32>,
    } else {
    }
    %get3A_4 = arith.constant 0 : index
    %get3A_5 = arith.constant 0 : index
    %get3A_6 = vector.load %arg1[%get3A_4, %get3A_5] : memref<2048x256xf32, #tpu.memory_space<vmem>>, vector<2048x256xf32>
    %mul3A = arith.constant -2.000000e+00 : f32
    %mul3A_7 = vector.broadcast %mul3A : f32 to vector<2048x256xf32>
    %mul3A_8 = arith.mulf %get3A_6, %mul3A_7 : vector<2048x256xf32>
    %dot_general3A = arith.constant dense<0.000000e+00> : vector<2048x1024xf32>
    %dot_general3A_9 = tpu.matmul %mul3A_8, %get3A_1, %dot_general3A {dimension_numbers = #tpu.dot_dimension_numbers<[1], [1], [0], [0], [0, 0, 1, 0], [], []>, transpose_lhs_hint = false} : vector<2048x256xf32>, vector<1024x256xf32>, vector<2048x1024xf32> -> vector<2048x1024xf32>
    %mul3A_10 = arith.mulf %get3A_6, %get3A_6 : vector<2048x256xf32>
    %reduce_sum3A = arith.constant dense<0.000000e+00> : vector<2048xf32>
    %reduce_sum3A_11 = vector.multi_reduction <add>, %mul3A_10, %reduce_sum3A [1] : vector<2048x256xf32> to vector<2048xf32>
    %broadcast_in_dim3A = vector.shape_cast %reduce_sum3A_11 : vector<2048xf32> to vector<2048x1xf32>
    %add3A = vector.broadcast %broadcast_in_dim3A : vector<2048x1xf32> to vector<2048x1024xf32>
    %add3A_12 = arith.addf %add3A, %dot_general3A_9 : vector<2048x1024xf32>
    %get3A_13 = arith.constant 0 : index
    %get3A_14 = arith.constant 0 : index
    %get3A_15 = vector.load %arg8[%get3A_13, %get3A_14] : memref<1x1024xf32, #tpu.memory_space<vmem>>, vector<1x1024xf32>
    %add3A_16 = vector.broadcast %get3A_15 : vector<1x1024xf32> to vector<2048x1024xf32>
    %add3A_17 = arith.addf %add3A_12, %add3A_16 : vector<2048x1024xf32>
    %reduce_min3A = arith.constant dense<0x7F800000> : vector<2048xf32>
    %reduce_min3A_18 = vector.multi_reduction <minimumf>, %add3A_17, %reduce_min3A [1] : vector<2048x1024xf32> to vector<2048xf32>
    %broadcast_in_dim3A_19 = vector.shape_cast %reduce_min3A_18 : vector<2048xf32> to vector<2048x1xf32>
    %iota3A = tpu.iota {dimensions = array<i32: 1>} : vector<1x1024xi32>
    %convert_element_type3A_20 = arith.sitofp %iota3A : vector<1x1024xi32> to vector<1x1024xf32>
    %eq3A_21 = vector.broadcast %broadcast_in_dim3A_19 : vector<2048x1xf32> to vector<2048x1024xf32>
    %eq3A_22 = arith.cmpf oeq, %add3A_17, %eq3A_21 : vector<2048x1024xf32>
    %jit3A = arith.constant 1.024000e+03 : f32
    %broadcast_in_dim3A_23 = vector.shape_cast %convert_element_type3A_20 : vector<1x1024xf32> to vector<1x1024xf32>
    %broadcast_in_dim3A_24 = vector.broadcast %broadcast_in_dim3A_23 : vector<1x1024xf32> to vector<2048x1024xf32>
    %broadcast_in_dim3A_25 = vector.broadcast %jit3A : f32 to vector<2048x1024xf32>
    %select_n3A = arith.select %eq3A_22, %broadcast_in_dim3A_24, %broadcast_in_dim3A_25 : vector<2048x1024xi1>, vector<2048x1024xf32>
    %reduce_min3A_26 = arith.constant dense<0x7F800000> : vector<2048xf32>
    %reduce_min3A_27 = vector.multi_reduction <minimumf>, %select_n3A, %reduce_min3A_26 [1] : vector<2048x1024xf32> to vector<2048xf32>
    %broadcast_in_dim3A_28 = vector.shape_cast %reduce_min3A_27 : vector<2048xf32> to vector<2048x1xf32>
    %transpose3A = tpu.transpose %broadcast_in_dim3A_28, [1, 0] : vector<2048x1xf32> -> vector<1x2048xf32>
    %transpose3A_29 = tpu.transpose %broadcast_in_dim3A_19, [1, 0] : vector<2048x1xf32> -> vector<1x2048xf32>
    %convert_element_type3A_30 = arith.fptosi %transpose3A : vector<1x2048xf32> to vector<1x2048xi32>
    %get3A_31 = arith.constant 0 : index
    %get3A_32 = arith.constant 0 : index
    %get3A_33 = arith.constant 0 : index
    %get3A_34 = vector.load %arg3[%get3A_31, %get3A_32, %get3A_33] : memref<1x1x2048xf32, #tpu.memory_space<vmem>>, vector<1x1x2048xf32>
    %get3A_35 = vector.shape_cast %get3A_34 : vector<1x1x2048xf32> to vector<1x2048xf32>
    %gt3A = arith.constant 5.000000e-01 : f32
    %gt3A_36 = vector.broadcast %gt3A : f32 to vector<1x2048xf32>
    %gt3A_37 = arith.cmpf ogt, %get3A_35, %gt3A_36 : vector<1x2048xf32>
    %jit3A_38 = arith.constant 0 : i32
    %broadcast_in_dim3A_39 = vector.broadcast %jit3A_38 : i32 to vector<1x2048xi32>
    %select_n3A_40 = arith.select %gt3A_37, %convert_element_type3A_30, %broadcast_in_dim3A_39 : vector<1x2048xi1>, vector<1x2048xi32>
    %swap3A = arith.constant 0 : index
    %swap3A_41 = arith.constant 0 : index
    %swap3A_42 = arith.constant 0 : index
    %swap3A_43 = vector.load %arg4[%swap3A, %swap3A_41, %swap3A_42] : memref<1x1x2048xi32, #tpu.memory_space<vmem>>, vector<1x1x2048xi32>
    %swap3A_44 = vector.shape_cast %swap3A_43 : vector<1x1x2048xi32> to vector<1x2048xi32>
    %swap3A_45 = vector.shape_cast %select_n3A_40 : vector<1x2048xi32> to vector<1x1x2048xi32>
    tpu.vector_store %arg4[%swap3A, %swap3A_41, %swap3A_42], %swap3A_45 {strides = array<i32>} : memref<1x1x2048xi32, #tpu.memory_space<vmem>>, vector<1x1x2048xi32>,
    %jit3A_46 = arith.constant 1024 : i32
    %broadcast_in_dim3A_47 = vector.broadcast %jit3A_46 : i32 to vector<1x2048xi32>
    %select_n3A_48 = arith.select %gt3A_37, %convert_element_type3A_30, %broadcast_in_dim3A_47 : vector<1x2048xi1>, vector<1x2048xi32>
    %swap3A_49 = arith.constant 0 : index
    %swap3A_50 = arith.constant 0 : index
    %swap3A_51 = arith.constant 0 : index
    %swap3A_52 = vector.load %arg5[%swap3A_49, %swap3A_50, %swap3A_51] : memref<1x1x2048xi32, #tpu.memory_space<vmem>>, vector<1x1x2048xi32>
    %swap3A_53 = vector.shape_cast %swap3A_52 : vector<1x1x2048xi32> to vector<1x2048xi32>
    %swap3A_54 = vector.shape_cast %select_n3A_48 : vector<1x2048xi32> to vector<1x1x2048xi32>
    tpu.vector_store %arg5[%swap3A_49, %swap3A_50, %swap3A_51], %swap3A_54 {strides = array<i32>} : memref<1x1x2048xi32, #tpu.memory_space<vmem>>, vector<1x1x2048xi32>,
    %convert_element_type3A_55 = arith.extui %gt3A_37 : vector<1x2048xi1> to vector<1x2048xi32>
    %convert_element_type3A_56 = arith.sitofp %convert_element_type3A_55 : vector<1x2048xi32> to vector<1x2048xf32>
    %get3A_57 = arith.constant 0 : index
    %get3A_58 = memref.load %arg9[%get3A_57] : memref<2xf32, #tpu.memory_space<smem>>
    %mul3A_59 = arith.mulf %transpose3A_29, %convert_element_type3A_56 : vector<1x2048xf32>
    %reduce_sum3A_60 = vector.shape_cast %mul3A_59 : vector<1x2048xf32> to vector<1x1x2048xf32>
    %reduce_sum3A_61 = arith.constant dense<0.000000e+00> : vector<1xf32>
    %reduce_sum3A_62 = vector.multi_reduction <add>, %reduce_sum3A_60, %reduce_sum3A_61 [1, 2] : vector<1x1x2048xf32> to vector<1xf32>
    %reduce_sum3A_63 = vector.shape_cast %reduce_sum3A_62 : vector<1xf32> to vector<1x1x1xf32>
    %reduce_sum3A_64 = vector.extract %reduce_sum3A_63[0, 0, 0] : f32 from vector<1x1x1xf32>
    %add3A_65 = arith.addf %get3A_58, %reduce_sum3A_64 : f32
    %swap3A_66 = arith.constant 0 : index
    %swap3A_67 = memref.load %arg9[%swap3A_66] : memref<2xf32, #tpu.memory_space<smem>>
    memref.store %add3A_65, %arg9[%swap3A_66] : memref<2xf32, #tpu.memory_space<smem>>
    %get3A_68 = arith.constant 1 : index
    %get3A_69 = memref.load %arg9[%get3A_68] : memref<2xf32, #tpu.memory_space<smem>>
    %reduce_sum3A_70 = vector.shape_cast %convert_element_type3A_56 : vector<1x2048xf32> to vector<1x1x2048xf32>
    %reduce_sum3A_71 = arith.constant dense<0.000000e+00> : vector<1xf32>
    %reduce_sum3A_72 = vector.multi_reduction <add>, %reduce_sum3A_70, %reduce_sum3A_71 [1, 2] : vector<1x1x2048xf32> to vector<1xf32>
    %reduce_sum3A_73 = vector.shape_cast %reduce_sum3A_72 : vector<1xf32> to vector<1x1x1xf32>
    %reduce_sum3A_74 = vector.extract %reduce_sum3A_73[0, 0, 0] : f32 from vector<1x1x1xf32>
    %add3A_75 = arith.addf %get3A_69, %reduce_sum3A_74 : f32
    %swap3A_76 = arith.constant 1 : index
    %swap3A_77 = memref.load %arg9[%swap3A_76] : memref<2xf32, #tpu.memory_space<smem>>
    memref.store %add3A_75, %arg9[%swap3A_76] : memref<2xf32, #tpu.memory_space<smem>>
    %eq3A_78 = arith.constant 8 : i32
    %eq3A_79 = arith.cmpi eq, %arg0, %eq3A_78 : i32
    %convert_element_type3A_80 = arith.extui %eq3A_79 : i1 to i32
    %cond3A_81 = arith.constant 0 : i32
    %cond3A_82 = arith.cmpi ne, %convert_element_type3A_80, %cond3A_81 : i32
    scf.if %cond3A_82 {
      %get3A_83 = arith.constant 0 : index
      %get3A_84 = memref.load %arg9[%get3A_83] : memref<2xf32, #tpu.memory_space<smem>>
      %mul3A_85 = arith.constant 2.500000e-01 : f32
      %mul3A_86 = arith.mulf %mul3A_85, %get3A_84 : f32
      %get3A_87 = arith.constant 1 : index
      %get3A_88 = memref.load %arg9[%get3A_87] : memref<2xf32, #tpu.memory_space<smem>>
      %mul3A_89 = arith.constant 2.560000e+02 : f32
      %mul3A_90 = arith.mulf %get3A_88, %mul3A_89 : f32
      %div3A = arith.divf %mul3A_86, %mul3A_90 : f32
      %swap3A_91 = arith.constant 0 : index
      %swap3A_92 = memref.load %arg6[%swap3A_91] : memref<1xf32, #tpu.memory_space<smem>>
      memref.store %div3A, %arg6[%swap3A_91] : memref<1xf32, #tpu.memory_space<smem>>
    } else {
    }
    return
  }
  func.func @transform_0(%arg0: i32) -> (i32, i32) {
    %c0_i32 = arith.constant 0 : i32
    %c0_i32_0 = arith.constant 0 : i32
    return %arg0, %c0_i32 : i32, i32
  }
  func.func @transform_1(%arg0: i32) -> (i32, i32) {
    %c0_i32 = arith.constant 0 : i32
    %c0_i32_0 = arith.constant 0 : i32
    %c0_i32_1 = arith.constant 0 : i32
    return %c0_i32, %c0_i32_0 : i32, i32
  }
  func.func @transform_2(%arg0: i32) -> (i32, i32, i32) {
    %c0_i32 = arith.constant 0 : i32
    %c0_i32_0 = arith.constant 0 : i32
    %c0_i32_1 = arith.constant 0 : i32
    return %arg0, %c0_i32, %c0_i32_0 : i32, i32, i32
  }
  func.func @transform_3(%arg0: i32) -> (i32, i32, i32) {
    %c0_i32 = arith.constant 0 : i32
    %c0_i32_0 = arith.constant 0 : i32
    %c0_i32_1 = arith.constant 0 : i32
    return %arg0, %c0_i32, %c0_i32_0 : i32, i32, i32
  }
  func.func @transform_4(%arg0: i32) -> (i32, i32, i32) {
    %c0_i32 = arith.constant 0 : i32
    %c0_i32_0 = arith.constant 0 : i32
    %c0_i32_1 = arith.constant 0 : i32
    return %arg0, %c0_i32, %c0_i32_0 : i32, i32, i32
  }
  func.func @transform_5(%arg0: i32) -> i32 {
    %c0_i32 = arith.constant 0 : i32
    %c0_i32_0 = arith.constant 0 : i32
    return %c0_i32 : i32
  }
  func.func @transform_6(%arg0: i32) -> (i32, i32) {
    %c0_i32 = arith.constant 0 : i32
    %c0_i32_0 = arith.constant 0 : i32
    %c0_i32_1 = arith.constant 0 : i32
    return %c0_i32, %c0_i32_0 : i32, i32
  }
}

</mosaic_0001>

<sc_bundles>
// kernel: kernel.4.cloned.1.call-start
scs
__scs_entry_jumppad:
0x0: {  	(pc) =	sbr.rel $0x88, $3  }
0x1: {  	(tag) =	ssettag $0x0;
	lr =	simm.s32 $0x1  }
0x2: {  	[smem:$0x3F9E] =	sst lr;
	_ =	strace $0xD0000000  }
0x3: {  	_ = 	snop  }
0x4: {  	_ = 	snop  }
0x5: {  	_ = 	snop  }
0x6: {  	_ = 	snop  }
0x7: {  	_ = 	snop  }
__scs_overlays_trampoline_lowered:
0x8: {  	[smem:$0x3FAD] =	sst s0  }
0x9: {  	[smem:$0x3FAE] =	sst s1  }
0xa: {  	[smem:$0x3FAF] =	sst s2  }
0xb: {  	[smem:$0x3FB0] =	sst s3  }
0xc: {  	[smem:$0x3FB1] =	sst s4  }
0xd: {  	[smem:$0x3FB2] =	sst s5  }
0xe: {  	[smem:$0x3FB3] =	sst s6  }
0xf: {  	[smem:$0x3FB4] =	sst s7  }
0x10: {  	[smem:$0x3FB5] =	sst s8  }
0x11: {  	[smem:$0x3FB6] =	sst s9;
	s0 =	simm.s32 @!p0 $0x0  }
0x12: {  	s1 =	sld [smem:$0x3F9C];
	s0 =	simm.s32 @p0 $0x1  }
0x13: {  	[smem:$0x3FB7] =	sst s0;
	s0 =	simm.s32 @!p1 $0x0  }
0x14: {  	s2 =	sld [smem:$0x3F9B];
	s0 =	simm.s32 @p1 $0x1  }
0x15: {  	[smem:$0x3FB8] =	sst s0;
	s0 =	simm.s32 @!p2 $0x0  }
0x16: {  	s3 =	sld [smem:$0x3FDB];
	s0 =	simm.s32 @p2 $0x1  }
0x17: {  	s4 =	simm.s32 $0x1BF5;
	[smem:$0x3FBA] =	sst s0  }
0x18: {  	s0 =	sld [smem:$0x3F9D];
	_ =	swait.ge [sflag:s4], $0x0  }
0x19: {  	s7 =	sld [smem:$0x3F9E]  }
0x1a: {  	s8 =	sadd.s32 $0xFFFFE003, lr  }
0x1b: {  	s9 =	sadd.s32 $0xFFFFFEF7, lr;
	s5 =	simm.s32 $0xFFFFFFFF;
	p2 =	slt.u32 s8, $0xFFFFF086  }
0x1c: {  	p1 =	slt.u32 s9, $0xF7A;
	s5 =	simm.s32 @!p2 $0x0  }
0x1d: {  	s5 =	simm.s32 @p1 $0x1;
	p0 =	seq.s32 s7, s2  }
0x1e: {  	s7 =	smul.u32 @!p0 $0xF7A, s2;
	p2 =	seq.s32 @!p0 s5, $0x0  }
0x1f: {  	s9 =	smul.u32 $0xF7A, s1;
	s8 =	simm.s32 @!p0 $0x1BF5;
	p2 =	por !p2, p0  }
0x20: {  	[sflag:s8] =	ssyncset.s32 @!p0 $0xFFFFF086;
	s6 =	sadd.s32 @!p0 s3, s7;
	s7 =	simm.s32 @!p0 $0x108  }
0x21: {  	s3 =	sadd.s32 s3, s9;
	s6 =	sadd.s32 @!p0 $0x88, s6;
	s7 =	simm.s32 @p2 $0x1082  }
0x22: {  	[simem:s7], [sflag:s8] =	dma.local @!p0 [hbm:s6], $0xF7A  }
0x23: {  	s9 =	sor.u32 $0xD0000000, s2;
	s6 =	simm.s32 $0x108;
	_ =	swait.ge @!p0 [sflag:s8], $0x0  }
0x24: {  	s3 =	sadd.s32 $0x88, s3;
	s6 =	simm.s32 @!p1 $0x1082;
	[sflag:s4] =	ssyncset.s32 $0xFFFFF086  }
0x25: {  	[simem:s6], [sflag:s4] =	dma.local [hbm:s3], $0xF7A  }
0x26: {  	[smem:$0x3F9E] =	sst s1;
	(tag) =	ssettag s2;
	_ =	strace s9  }
0x27: {  	s1 =	sld [smem:$0x3FAE]  }
0x28: {  	s2 =	sld [smem:$0x3FAF]  }
0x29: {  	s4 =	sld [smem:$0x3FB1]  }
0x2a: {  	p0 =	seq.s32 s5, $0x0;
	s5 =	sld [smem:$0x3FB2]  }
0x2b: {  	s6 =	sld [smem:$0x3FB3]  }
0x2c: {  	s7 =	sld [smem:$0x3FB4]  }
0x2d: {  	s3 =	simm.s32 $0x108;
	s8 =	sld [smem:$0x3FB5]  }
0x2e: {  	s3 =	simm.s32 @!p0 $0x1082;
	s9 =	sld [smem:$0x3FB6]  }
0x2f: {  	lr =	sadd.s32 s0, s3;
	s0 =	sld [smem:$0x3FAD]  }
0x30: {  	s3 =	sld [smem:$0x3FB0]  }
0x31: {  	[smem:$0x3FB9] =	sst s10  }
0x32: {  	s10 =	sld [smem:$0x3FB7];
	_ =	sdelay $0x3  }
0x33: {  	p0 =	seq.s32 s10, $0x1;
	s10 =	sld [smem:$0x3FB9];
	_ =	sdelay $0x3  }
0x34: {  	[smem:$0x3FB9] =	sst s10  }
0x35: {  	s10 =	sld [smem:$0x3FB8];
	_ =	sdelay $0x3  }
0x36: {  	p1 =	seq.s32 s10, $0x1;
	s10 =	sld [smem:$0x3FB9];
	_ =	sdelay $0x3  }
0x37: {  	[smem:$0x3FB9] =	sst s10  }
0x38: {  	s10 =	sld [smem:$0x3FBA]  }
0x39: {  	_ = 	snop;
	(pc) =	sbr.ind lr, $3  }
0x3a: {  	_ = 	snop  }
0x3b: {  	_ = 	snop  }
0x3c: {  	p2 =	seq.s32 s10, $0x1;
	s10 =	sld [smem:$0x3FB9]  }
0x3d: {  	_ =	shalt  }
0x3e: {  	_ =	shalt  }
0x3f: {  	_ =	shalt  }
0x40: {  	_ =	shalt  }
0x41: {  	_ =	shalt  }
0x42: {  	_ =	shalt  }
0x43: {  	_ =	shalt  }
0x44: {  	_ =	shalt  }
0x45: {  	_ =	shalt  }
0x46: {  	_ =	shalt  }
0x47: {  	_ =	shalt  }
0x48: {  	_ =	shalt  }
0x49: {  	_ =	shalt  }
0x4a: {  	_ =	shalt  }
0x4b: {  	_ =	shalt  }
0x4c: {  	_ =	shalt  }
0x4d: {  	_ =	shalt  }
0x4e: {  	_ =	shalt  }
0x4f: {  	_ =	shalt  }
0x50: {  	_ =	shalt  }
0x51: {  	_ =	shalt  }
0x52: {  	_ =	shalt  }
0x53: {  	_ =	shalt  }
0x54: {  	_ =	shalt  }
0x55: {  	_ =	shalt  }
0x56: {  	_ =	shalt  }
0x57: {  	_ =	shalt  }
0x58: {  	_ =	shalt  }
0x59: {  	_ =	shalt  }
0x5a: {  	_ =	shalt  }
0x5b: {  	_ =	shalt  }
0x5c: {  	_ =	shalt  }
0x5d: {  	_ =	shalt  }
0x5e: {  	_ =	shalt  }
0x5f: {  	_ =	shalt  }
0x60: {  	_ =	shalt  }
0x61: {  	_ =	shalt  }
0x62: {  	_ =	shalt  }
0x63: {  	_ =	shalt  }
0x64: {  	_ =	shalt  }
0x65: {  	_ =	shalt  }
0x66: {  	_ =	shalt  }
0x67: {  	_ =	shalt  }
0x68: {  	_ =	shalt  }
0x69: {  	_ =	shalt  }
0x6a: {  	_ =	shalt  }
0x6b: {  	_ =	shalt  }
0x6c: {  	_ =	shalt  }
0x6d: {  	_ =	shalt  }
0x6e: {  	_ =	shalt  }
0x6f: {  	_ =	shalt  }
0x70: {  	_ =	shalt  }
0x71: {  	_ =	shalt  }
0x72: {  	_ =	shalt  }
0x73: {  	_ =	shalt  }
0x74: {  	_ =	shalt  }
0x75: {  	_ =	shalt  }
0x76: {  	_ =	shalt  }
0x77: {  	_ =	shalt  }
0x78: {  	_ =	shalt  }
0x79: {  	_ =	shalt  }
0x7a: {  	_ =	shalt  }
0x7b: {  	_ =	shalt  }
0x7c: {  	_ =	shalt  }
0x7d: {  	_ =	shalt  }
0x7e: {  	_ =	shalt  }
0x7f: {  	_ =	shalt  }
0x80: {  	_ =	shalt  }
0x81: {  	_ =	shalt  }
0x82: {  	_ =	shalt  }
0x83: {  	_ =	shalt  }
0x84: {  	_ =	shalt  }
0x85: {  	_ =	shalt  }
0x86: {  	_ =	shalt  }
0x87: {  	_ =	shalt  }
.Lfunc_end0:
.L_simem_size_0:
called_computation_lowered:
.L_overlay_start_0:
0x88: {  	s2 =	sld [smem:$0x3FD9]  }
0x89: {  	s3 =	sld [smem:$0x3FFE];
	_ =	sdelay $0x1  }
0x8a: {  	s1 =	srdreg.scid  }
0x8b: {  	s0 =	sand.u32 $0x1, s1  }
0x8c: {  	s14 =	sshll.u32 s0, $0xA;
	s2 =	sadd.s32 s3, s2  }
0x8d: {  	s2 =	sadd.s32 s2, s14  }
0x8e: {  	[smem:$0x3FC5] =	sst s2  }
0x8f: {  	_ = 	snop  }
0x90: {  	s2 =	sld [smem:$0x3FD0];
	_ =	sdelay $0x2  }
0x91: {  	s15 =	simm.s32 $0xA;
	s4 =	simm.s32 $0x10  }
0x92: {  	[smem:s4], [sflag:s15] =	dma.local [hbm:s2], $0x1  }
0x93: {  	_ =	swait.eq [sflag:s15], $0x1  }
0x94: {  	[sflag:s15] =	ssyncset.done $0x0  }
0x95: {  	[sflag:s15] =	ssyncadd.s32 $0xFFFFFFFF  }
0x96: {  	s16 =	sld [smem:$0x10];
	(tm) =	ssettm $0x1  }
0x97: {  	s17 =	sld [smem:$0x3FFB];
	_ =	sdelay $0x3  }
0x98: {  	_ =	strace s17  }
0x99: {  	s3 =	sld [smem:$0x3FFC];
	_ =	sdelay $0x3  }
0x9a: {  	_ =	strace s3  }
0x9b: {  	s3 =	sld [smem:$0x3FFD];
	_ =	sdelay $0x3  }
0x9c: {  	_ =	strace s3  }
0x9d: {  	_ =	strace $0x8FFFFFFF  }
0x9e: {  	s18 =	sld [smem:$0x3FDB];
	_ =	sdelay $0x1  }
0x9f: {  	s19 =	simm.s32 $_scs_section_size  }
0xa0: {  	s5 =	simm.s32 $_size__tile_overlayer_lowered;
	s6 =	simm.s32 $_tile_overlayer_lowered  }
0xa1: {  	s22 =	simm.s32 $0x1BFF;
	s21 =	sshll.u32 s6, $0x1;
	s3 =	sadd.s32 s19, s18  }
0xa2: {  	s7 =	simm.s32 $0x0;
	s20 =	sshll.u32 s5, $0x1;
	s5 =	sadd.s32 s21, s3  }
0xa3: {  	[timem:s7], [sflag:s22] =	dma.local [hbm:s5], s20  }
0xa4: {  	_ =	swait.ge [sflag:s22], s20  }
0xa5: {  	s4 =	ssub.s32 $0x0, s20;
	[sflag:s22] =	ssyncset.done $0x0  }
0xa6: {  	[sflag:s22] =	ssyncadd.s32 s4;
	_ =	sdelay $0x1  }
0xa7: {  	s23 =	simm.s32 $0x1B8B  }
0xa8: {  	_ =	swait.ge [sflag:s23], $0x1  }
0xa9: {  	[sflag:s23] =	ssyncset.done $0x0  }
0xaa: {  	s25 =	simm.s32 $0x1B8E;
	s24 =	sld [smem:$0x3FFE];
	[sflag:s23] =	ssyncadd.s32 $0xFFFFFFFF  }
0xab: {  	s26 =	simm.s32 $execute0_lowered;
	[smem:$0x3FD2] =	sst s25  }
0xac: {  	s5 =	sshll.u32 s26, $0x1;
	_ =	strace $0x80000046;
	[dreg:$0x1] =	wrdreg $0xFFFFFFFF  }
0xad: {  	s28 =	simm.s32 $_size_execute0_lowered;
	s3 =	sadd.s32 s3, s5;
	[dreg:$0x0] =	wrdreg $0x0  }
0xae: {  	s5 =	sshll.u32 s28, $0x1;
	[dreg:$0x2] =	wrdreg s3  }
0xaf: {  	[dreg:$0x3] =	wrdreg s5  }
0xb0: {  	[dreg:$0x4] =	wrdreg $0xC0  }
0xb1: {  	_ =	task [dreg:s7], $0x5FFFF  }
0xb2: {  	[dreg:$0x1] =	wrdreg $0xFFFFFFFF  }
0xb3: {  	[dreg:$0x0] =	wrdreg $0x60  }
0xb4: {  	[dreg:$0x2] =	wrdreg s24  }
0xb5: {  	[dreg:$0x3] =	wrdreg s16  }
0xb6: {  	[dreg:$0x4] =	wrdreg $0x9  }
0xb7: {  	_ =	task.clear_ibuf [dreg:s7], $0x5FFFF;
	_ =	strace $0x90000046  }
0xb8: {  	s29 =	simm.s32 $0x9;
	_ =	strace $0x80000048  }
0xb9: {  	_ =	swait.ge [sflag:s29], $0x1  }
0xba: {  	[sflag:s29] =	ssyncadd.s32 $0xFFFFFFFF  }
0xbb: {  	_ =	strace $0x90000048  }
0xbc: {  	_ =	sfence  }
0xbd: {  	s30 =	sld [smem:$0x0];
	_ =	sdelay $0x2  }
0xbe: {  	s31 =	sshll.u32 s1, $0xD;
	s1 =	sshrl.u32 s1, $0x2  }
0xbf: {  	s3 =	sand.u32 $0x4000, s31;
	s1 =	sadd.s32 s1, s30  }
0xc0: {  	s0 =	sor.u32 s3, s0;
	s1 =	sshll.u32 s1, $0x11  }
0xc1: {  	s0 =	sor.u32 s1, s0  }
0xc2: {  	s0 =	sadd.s32 $0x8F2B, s0  }
0xc3: {  	[sflag:s0] =	ssyncadd.remote.s32 $0x1  }
0xc4: {  	_ =	sfence.sel $0xFFFF  }
0xc5: {  	[dreg:$0x0] =	wrdreg $0xFFFFFFFF;
	(pc) =	sbr.abs _section_cstart, $3  }
0xc6: {  	[dreg:$0x1] =	wrdreg $0xFFFFFFFF  }
0xc7: {  	_ =	task.clear_ibuf [dreg:s7], $0x2FFFF;
	_ =	strace $0x9FFFFFFF  }
0xc8: {  	(tm) =	ssettm $0x7FFFFFFF  }
0xc9: {  	_ =	shalt  }
tec
execute0_lowered:
.L_overlay_start_1:
0x0: {  	(tag) =	ssettag $0x1  }
0x1: {  	s0 =	srdreg.scid;
	s3 =	rddreg [dreg:$0x0]  }
0x2: {  	s1 =	stileid.u32;
	s4 =	rddreg [dreg:$0x1]  }
0x3: {  	s2 =	simm.s32 $0x0;
	s16 =	simm.s32 $0x1;
	s17 =	simm.s32 $0x2  }
0x4: {  	s20 =	simm.s32 $0xA80;
	s28 =	simm.s32 $0x4280;
	s29 =	simm.s32 $0x4A80  }
0x5: {  	s30 =	simm.s32 $0x5280;
	s31 =	simm.s32 $0x6280;
	s7 =	simm.s32 $0x7280  }
0x6: {  	s8 =	simm.s32 $0x7A80;
	s9 =	simm.s32 $0x8280;
	s10 =	simm.s32 $0x8A80  }
0x7: {  	s11 =	simm.s32 $0x9280;
	s0 =	sand.u32 $0x1, s0;
	s1 =	sshll.u32 s1, $0x1  }
0x8: {  	s12 =	simm.s32 $0x9A80;
	s13 =	simm.s32 $0xA280;
	s1 =	sor.u32 s0, s1  }
0x9: {  	s14 =	simm.s32 $0xAA80;
	s15 =	simm.s32 $0xB280;
	s5 =	smul.u32 $0x48, s1  }
0xa: {  	s18 =	simm.s32 $0xBA80;
	s0 =	ssub.s32 $0x2, s0;
	s6 =	smul.u32 $0x24000, s1  }
0xb: {  	[smem:$0x7FF] =	sst s2;
	s1 =	smul.u32 $0x4800, s1;
	s24 =	sshrl.u32 s0, $0x1  }
0xc: {  	_ =	strace $0x80000047;
	s0 =	ssub.s32 s0, s24;
	s24 =	simm.s32 $0x2A80  }
0xd: {  	s5 =	sadd.s32 s5, s3;
	s6 =	sshrl.u32 s6, $0x3;
	s1 =	sadd.s32 s4, s1  }
0xe: {  	s5 =	sadd.s32 $0x8C00, s5;
	s4 =	sadd.s32 s4, s6;
	[dreg:$0x4] =	wrdreg s1  }
0xf: {  	s3 =	sadd.s32 $0xA00, s3;
	[dreg:$0x3] =	wrdreg s5;
	s21 =	sadd.s32 $0xC00, s4  }
0x10: {  	s6 =	simm.s32 $0x6A80;
	s22 =	sadd.s32 $0x1800, s4;
	[dreg:$0x5] =	wrdreg s21  }
0x11: {  	s1 =	simm.s32 $0xC280;
	s23 =	sadd.s32 $0x2400, s4;
	[dreg:$0x6] =	wrdreg s22  }
0x12: {  	s25 =	sadd.s32 $0x3000, s4;
	s26 =	sadd.s32 $0x3C00, s4;
	[dreg:$0x7] =	wrdreg s23  }
0x13: {  	v2 =	vlaneseq.u32;
	s4 =	smax.u32 s0, $0x1;
	s5 =	simm.s32 $0x5A80;
	[dreg:$0x8] =	wrdreg s25  }
0x14: {  	vm0 =	vmmov $0xffff;
	v1 =	vshrl.u32 v2, $0x3;
	[dreg:$0x9] =	wrdreg s26;
	s21 =	simm.s32 $0x1280;
	s22 =	simm.s32 $0x1A80  }
0x15: {  	v0 =	vand.u32 $0x7, v2;
	v2 =	vor.u32 $0x8, v2;
	v1 =	vmul.u32 $0x8, v1;
	s23 =	simm.s32 $0x2280;
	s25 =	simm.s32 $0x3280;
	s26 =	simm.s32 $0x3A80  }
.LBB2_1:
0x16: {  	s19 =	rddreg [dreg:$0x3];
	s0 =	simm.s32 $0x3  }
0x17: {  	[tilespmem:s2], [sflag:$0x3] =	stream.linear.gather [hbm4b:s19+s2], $0x240, $0x38;
	[tilespmem:$0x12280] =	vst v63  }
0x18: {  	_ =	swait.ge [sflag:s0], $0x240  }
0x19: {  	[sflag:s0] =	ssyncset.done $0x0  }
0x1a: {  	[sflag:s0] =	ssyncadd.s32 $0xFFFFFDC0  }
0x1b: {  	v3 =	vld [tilespmem:$0x0];
	_ =	sdelay $0x4  }
0x1c: {  	v4 =	vshll.u32 v3, $0x1  }
0x1d: {  	v3 =	vand.u32 $0x7, v3;
	v4 =	vand.u32 $0xFFFFFFF0, v4  }
0x1e: {  	v3 =	vor.u32 v3, v4  }
0x1f: {  	v4 =	vperm.xlane v3, v0;
	_ =	sdelay $0x1  }
0x20: {  	v3 =	vperm.xlane v3, v2;
	v4 =	vadd.s32 v1, v4;
	_ =	sdelay $0x1  }
0x21: {  	v3 =	vadd.s32 v1, v3;
	_ =	sdelay $0x1  }
0x22: {  	s19 =	simm.s32 $0x280  }
0x23: {  	[tilespmem:s19], [sflag:$0x1] =	stream.indirect_vreg.gather [hbm4b:s3+s2], $0x80, v4, vm0, $0xb8;
	[tilespmem:$0x12280] =	vst v63  }
0x24: {  	_ = 	snop  }
0x25: {  	[tilespmem:s20], [sflag:$0x1] =	stream.indirect_vreg.gather [hbm4b:s3+s2], $0x80, v3, vm0, $0xb8;
	[tilespmem:$0x12280] =	vst v63  }
0x26: {  	v3 =	vld [tilespmem:$0x10];
	_ =	sdelay $0x4  }
0x27: {  	v29 =	vshll.u32 v3, $0x1  }
0x28: {  	v3 =	vand.u32 $0x7, v3;
	v4 =	vand.u32 $0xFFFFFFF0, v29  }
0x29: {  	v3 =	vor.u32 v3, v4  }
0x2a: {  	v4 =	vperm.xlane v3, v0;
	_ =	sdelay $0x1  }
0x2b: {  	v3 =	vperm.xlane v3, v2;
	v4 =	vadd.s32 v1, v4;
	_ =	sdelay $0x1  }
0x2c: {  	v3 =	vadd.s32 v1, v3;
	_ =	sdelay $0x2  }
0x2d: {  	[tilespmem:s21], [sflag:$0x1] =	stream.indirect_vreg.gather [hbm4b:s3+s2], $0x80, v4, vm0, $0xb8;
	[tilespmem:$0x12280] =	vst v63  }
0x2e: {  	_ = 	snop  }
0x2f: {  	[tilespmem:s22], [sflag:$0x1] =	stream.indirect_vreg.gather [hbm4b:s3+s2], $0x80, v3, vm0, $0xb8;
	[tilespmem:$0x12280] =	vst v63  }
0x30: {  	v3 =	vld [tilespmem:$0x20];
	_ =	sdelay $0x4  }
0x31: {  	v30 =	vshll.u32 v3, $0x1  }
0x32: {  	v3 =	vand.u32 $0x7, v3;
	v4 =	vand.u32 $0xFFFFFFF0, v30  }
0x33: {  	v3 =	vor.u32 v3, v4  }
0x34: {  	v4 =	vperm.xlane v3, v0;
	_ =	sdelay $0x1  }
0x35: {  	v3 =	vperm.xlane v3, v2;
	v4 =	vadd.s32 v1, v4;
	_ =	sdelay $0x1  }
0x36: {  	v3 =	vadd.s32 v1, v3;
	_ =	sdelay $0x2  }
0x37: {  	[tilespmem:s23], [sflag:$0x1] =	stream.indirect_vreg.gather [hbm4b:s3+s2], $0x80, v4, vm0, $0xb8;
	[tilespmem:$0x12280] =	vst v63  }
0x38: {  	_ = 	snop  }
0x39: {  	[tilespmem:s24], [sflag:$0x1] =	stream.indirect_vreg.gather [hbm4b:s3+s2], $0x80, v3, vm0, $0xb8;
	[tilespmem:$0x12280] =	vst v63  }
0x3a: {  	v3 =	vld [tilespmem:$0x30];
	_ =	sdelay $0x4  }
0x3b: {  	v31 =	vshll.u32 v3, $0x1  }
0x3c: {  	v3 =	vand.u32 $0x7, v3;
	v4 =	vand.u32 $0xFFFFFFF0, v31  }
0x3d: {  	v3 =	vor.u32 v3, v4  }
0x3e: {  	v4 =	vperm.xlane v3, v0;
	_ =	sdelay $0x1  }
0x3f: {  	v3 =	vperm.xlane v3, v2;
	v4 =	vadd.s32 v1, v4;
	_ =	sdelay $0x1  }
0x40: {  	v3 =	vadd.s32 v1, v3;
	_ =	sdelay $0x2  }
0x41: {  	[tilespmem:s25], [sflag:$0x1] =	stream.indirect_vreg.gather [hbm4b:s3+s2], $0x80, v4, vm0, $0xb8;
	[tilespmem:$0x12280] =	vst v63  }
0x42: {  	_ = 	snop  }
0x43: {  	[tilespmem:s26], [sflag:$0x1] =	stream.indirect_vreg.gather [hbm4b:s3+s2], $0x80, v3, vm0, $0xb8;
	[tilespmem:$0x12280] =	vst v63  }
0x44: {  	v3 =	vld [tilespmem:$0x40];
	_ =	sdelay $0x4  }
0x45: {  	v32 =	vshll.u32 v3, $0x1  }
0x46: {  	v3 =	vand.u32 $0x7, v3;
	v4 =	vand.u32 $0xFFFFFFF0, v32  }
0x47: {  	v3 =	vor.u32 v3, v4  }
0x48: {  	v4 =	vperm.xlane v3, v0;
	_ =	sdelay $0x1  }
0x49: {  	v3 =	vperm.xlane v3, v2;
	v4 =	vadd.s32 v1, v4;
	_ =	sdelay $0x1  }
0x4a: {  	v3 =	vadd.s32 v1, v3;
	_ =	sdelay $0x2  }
0x4b: {  	[tilespmem:s28], [sflag:$0x1] =	stream.indirect_vreg.gather [hbm4b:s3+s2], $0x80, v4, vm0, $0xb8;
	[tilespmem:$0x12280] =	vst v63  }
0x4c: {  	_ = 	snop  }
0x4d: {  	[tilespmem:s29], [sflag:$0x1] =	stream.indirect_vreg.gather [hbm4b:s3+s2], $0x80, v3, vm0, $0xb8;
	[tilespmem:$0x12280] =	vst v63  }
0x4e: {  	v3 =	vld [tilespmem:$0x50];
	_ =	sdelay $0x4  }
0x4f: {  	v33 =	vshll.u32 v3, $0x1  }
0x50: {  	v3 =	vand.u32 $0x7, v3;
	v4 =	vand.u32 $0xFFFFFFF0, v33  }
0x51: {  	v3 =	vor.u32 v3, v4  }
0x52: {  	v4 =	vperm.xlane v3, v0;
	_ =	sdelay $0x1  }
0x53: {  	v3 =	vperm.xlane v3, v2;
	v4 =	vadd.s32 v1, v4;
	_ =	sdelay $0x1  }
0x54: {  	v3 =	vadd.s32 v1, v3;
	_ =	sdelay $0x2  }
0x55: {  	[tilespmem:s30], [sflag:$0x1] =	stream.indirect_vreg.gather [hbm4b:s3+s2], $0x80, v4, vm0, $0xb8;
	[tilespmem:$0x12280] =	vst v63  }
0x56: {  	_ = 	snop  }
0x57: {  	[tilespmem:s5], [sflag:$0x1] =	stream.indirect_vreg.gather [hbm4b:s3+s2], $0x80, v3, vm0, $0xb8;
	[tilespmem:$0x12280] =	vst v63  }
0x58: {  	v3 =	vld [tilespmem:$0x60];
	_ =	sdelay $0x4  }
0x59: {  	v34 =	vshll.u32 v3, $0x1  }
0x5a: {  	v3 =	vand.u32 $0x7, v3;
	v4 =	vand.u32 $0xFFFFFFF0, v34  }
0x5b: {  	v3 =	vor.u32 v3, v4  }
0x5c: {  	v4 =	vperm.xlane v3, v0;
	_ =	sdelay $0x1  }
0x5d: {  	v3 =	vperm.xlane v3, v2;
	v4 =	vadd.s32 v1, v4;
	_ =	sdelay $0x1  }
0x5e: {  	v3 =	vadd.s32 v1, v3;
	_ =	sdelay $0x2  }
0x5f: {  	[tilespmem:s31], [sflag:$0x1] =	stream.indirect_vreg.gather [hbm4b:s3+s2], $0x80, v4, vm0, $0xb8;
	[tilespmem:$0x12280] =	vst v63  }
0x60: {  	_ = 	snop  }
0x61: {  	[tilespmem:s6], [sflag:$0x1] =	stream.indirect_vreg.gather [hbm4b:s3+s2], $0x80, v3, vm0, $0xb8;
	[tilespmem:$0x12280] =	vst v63  }
0x62: {  	v3 =	vld [tilespmem:$0x70];
	_ =	sdelay $0x4  }
0x63: {  	v35 =	vshll.u32 v3, $0x1  }
0x64: {  	v3 =	vand.u32 $0x7, v3;
	v4 =	vand.u32 $0xFFFFFFF0, v35  }
0x65: {  	v3 =	vor.u32 v3, v4  }
0x66: {  	v4 =	vperm.xlane v3, v0;
	_ =	sdelay $0x1  }
0x67: {  	v3 =	vperm.xlane v3, v2;
	v4 =	vadd.s32 v1, v4;
	_ =	sdelay $0x1  }
0x68: {  	v3 =	vadd.s32 v1, v3;
	_ =	sdelay $0x2  }
0x69: {  	[tilespmem:s7], [sflag:$0x1] =	stream.indirect_vreg.gather [hbm4b:s3+s2], $0x80, v4, vm0, $0xb8;
	[tilespmem:$0x12280] =	vst v63  }
0x6a: {  	_ = 	snop  }
0x6b: {  	[tilespmem:s8], [sflag:$0x1] =	stream.indirect_vreg.gather [hbm4b:s3+s2], $0x80, v3, vm0, $0xb8;
	[tilespmem:$0x12280] =	vst v63  }
0x6c: {  	v3 =	vld [tilespmem:$0x80];
	_ =	sdelay $0x4  }
0x6d: {  	v36 =	vshll.u32 v3, $0x1  }
0x6e: {  	v3 =	vand.u32 $0x7, v3;
	v4 =	vand.u32 $0xFFFFFFF0, v36  }
0x6f: {  	v3 =	vor.u32 v3, v4  }
0x70: {  	v4 =	vperm.xlane v3, v0;
	_ =	sdelay $0x1  }
0x71: {  	v3 =	vperm.xlane v3, v2;
	v4 =	vadd.s32 v1, v4;
	_ =	sdelay $0x1  }
0x72: {  	v3 =	vadd.s32 v1, v3;
	_ =	sdelay $0x2  }
0x73: {  	[tilespmem:s9], [sflag:$0x1] =	stream.indirect_vreg.gather [hbm4b:s3+s2], $0x80, v4, vm0, $0xb8;
	[tilespmem:$0x12280] =	vst v63  }
0x74: {  	_ = 	snop  }
0x75: {  	[tilespmem:s10], [sflag:$0x1] =	stream.indirect_vreg.gather [hbm4b:s3+s2], $0x80, v3, vm0, $0xb8;
	[tilespmem:$0x12280] =	vst v63  }
0x76: {  	v3 =	vld [tilespmem:$0x90];
	_ =	sdelay $0x4  }
0x77: {  	v37 =	vshll.u32 v3, $0x1  }
0x78: {  	v3 =	vand.u32 $0x7, v3;
	v4 =	vand.u32 $0xFFFFFFF0, v37  }
0x79: {  	v3 =	vor.u32 v3, v4  }
0x7a: {  	v4 =	vperm.xlane v3, v0;
	_ =	sdelay $0x1  }
0x7b: {  	v3 =	vperm.xlane v3, v2;
	v4 =	vadd.s32 v1, v4;
	_ =	sdelay $0x1  }
0x7c: {  	v3 =	vadd.s32 v1, v3;
	_ =	sdelay $0x2  }
0x7d: {  	[tilespmem:s11], [sflag:$0x1] =	stream.indirect_vreg.gather [hbm4b:s3+s2], $0x80, v4, vm0, $0xb8;
	[tilespmem:$0x12280] =	vst v63  }
0x7e: {  	_ = 	snop  }
0x7f: {  	[tilespmem:s12], [sflag:$0x1] =	stream.indirect_vreg.gather [hbm4b:s3+s2], $0x80, v3, vm0, $0xb8;
	[tilespmem:$0x12280] =	vst v63  }
0x80: {  	v3 =	vld [tilespmem:$0xA0];
	_ =	sdelay $0x4  }
0x81: {  	v38 =	vshll.u32 v3, $0x1  }
0x82: {  	v3 =	vand.u32 $0x7, v3;
	v4 =	vand.u32 $0xFFFFFFF0, v38  }
0x83: {  	v3 =	vor.u32 v3, v4  }
0x84: {  	v4 =	vperm.xlane v3, v0;
	_ =	sdelay $0x1  }
0x85: {  	v3 =	vperm.xlane v3, v2;
	v4 =	vadd.s32 v1, v4;
	_ =	sdelay $0x1  }
0x86: {  	v3 =	vadd.s32 v1, v3;
	_ =	sdelay $0x2  }
0x87: {  	[tilespmem:s13], [sflag:$0x1] =	stream.indirect_vreg.gather [hbm4b:s3+s2], $0x80, v4, vm0, $0xb8;
	[tilespmem:$0x12280] =	vst v63  }
0x88: {  	_ = 	snop  }
0x89: {  	[tilespmem:s14], [sflag:$0x1] =	stream.indirect_vreg.gather [hbm4b:s3+s2], $0x80, v3, vm0, $0xb8;
	[tilespmem:$0x12280] =	vst v63  }
0x8a: {  	v3 =	vld [tilespmem:$0xB0];
	_ =	sdelay $0x4  }
0x8b: {  	v39 =	vshll.u32 v3, $0x1  }
0x8c: {  	v3 =	vand.u32 $0x7, v3;
	v4 =	vand.u32 $0xFFFFFFF0, v39  }
0x8d: {  	v3 =	vor.u32 v3, v4  }
0x8e: {  	v4 =	vperm.xlane v3, v0;
	_ =	sdelay $0x1  }
0x8f: {  	v3 =	vperm.xlane v3, v2;
	v4 =	vadd.s32 v1, v4;
	_ =	sdelay $0x1  }
0x90: {  	v3 =	vadd.s32 v1, v3;
	_ =	sdelay $0x2  }
0x91: {  	[tilespmem:s15], [sflag:$0x1] =	stream.indirect_vreg.gather [hbm4b:s3+s2], $0x80, v4, vm0, $0xb8;
	[tilespmem:$0x12280] =	vst v63  }
0x92: {  	_ = 	snop  }
0x93: {  	[tilespmem:s18], [sflag:$0x1] =	stream.indirect_vreg.gather [hbm4b:s3+s2], $0x80, v3, vm0, $0xb8;
	[tilespmem:$0x12280] =	vst v63  }
0x94: {  	v3 =	vld [tilespmem:$0xC0];
	_ =	sdelay $0x4  }
0x95: {  	v40 =	vshll.u32 v3, $0x1  }
0x96: {  	v3 =	vand.u32 $0x7, v3;
	v4 =	vand.u32 $0xFFFFFFF0, v40  }
0x97: {  	v3 =	vor.u32 v3, v4  }
0x98: {  	v4 =	vperm.xlane v3, v0;
	_ =	sdelay $0x1  }
0x99: {  	v3 =	vperm.xlane v3, v2;
	v4 =	vadd.s32 v1, v4;
	_ =	sdelay $0x1  }
0x9a: {  	v3 =	vadd.s32 v1, v3;
	_ =	sdelay $0x2  }
0x9b: {  	[tilespmem:s1], [sflag:$0x1] =	stream.indirect_vreg.gather [hbm4b:s3+s2], $0x80, v4, vm0, $0xb8;
	[tilespmem:$0x12280] =	vst v63  }
0x9c: {  	s19 =	simm.s32 $0xCA80  }
0x9d: {  	[tilespmem:s19], [sflag:$0x1] =	stream.indirect_vreg.gather [hbm4b:s3+s2], $0x80, v3, vm0, $0xb8;
	[tilespmem:$0x12280] =	vst v63  }
0x9e: {  	v3 =	vld [tilespmem:$0xD0];
	_ =	sdelay $0x4  }
0x9f: {  	v41 =	vshll.u32 v3, $0x1  }
0xa0: {  	v3 =	vand.u32 $0x7, v3;
	v4 =	vand.u32 $0xFFFFFFF0, v41  }
0xa1: {  	v3 =	vor.u32 v3, v4  }
0xa2: {  	v4 =	vperm.xlane v3, v0;
	_ =	sdelay $0x1  }
0xa3: {  	v3 =	vperm.xlane v3, v2;
	v4 =	vadd.s32 v1, v4;
	_ =	sdelay $0x1  }
0xa4: {  	v3 =	vadd.s32 v1, v3;
	_ =	sdelay $0x1  }
0xa5: {  	s19 =	simm.s32 $0xD280  }
0xa6: {  	[tilespmem:s19], [sflag:$0x1] =	stream.indirect_vreg.gather [hbm4b:s3+s2], $0x80, v4, vm0, $0xb8;
	[tilespmem:$0x12280] =	vst v63  }
0xa7: {  	s19 =	simm.s32 $0xDA80  }
0xa8: {  	[tilespmem:s19], [sflag:$0x1] =	stream.indirect_vreg.gather [hbm4b:s3+s2], $0x80, v3, vm0, $0xb8;
	[tilespmem:$0x12280] =	vst v63  }
0xa9: {  	v3 =	vld [tilespmem:$0xE0];
	_ =	sdelay $0x4  }
0xaa: {  	v42 =	vshll.u32 v3, $0x1  }
0xab: {  	v3 =	vand.u32 $0x7, v3;
	v4 =	vand.u32 $0xFFFFFFF0, v42  }
0xac: {  	v3 =	vor.u32 v3, v4  }
0xad: {  	v4 =	vperm.xlane v3, v0;
	_ =	sdelay $0x1  }
0xae: {  	v3 =	vperm.xlane v3, v2;
	v4 =	vadd.s32 v1, v4;
	_ =	sdelay $0x1  }
0xaf: {  	v3 =	vadd.s32 v1, v3;
	_ =	sdelay $0x1  }
0xb0: {  	s19 =	simm.s32 $0xE280  }
0xb1: {  	[tilespmem:s19], [sflag:$0x1] =	stream.indirect_vreg.gather [hbm4b:s3+s2], $0x80, v4, vm0, $0xb8;
	[tilespmem:$0x12280] =	vst v63  }
0xb2: {  	s19 =	simm.s32 $0xEA80  }
0xb3: {  	[tilespmem:s19], [sflag:$0x1] =	stream.indirect_vreg.gather [hbm4b:s3+s2], $0x80, v3, vm0, $0xb8;
	[tilespmem:$0x12280] =	vst v63  }
0xb4: {  	v3 =	vld [tilespmem:$0xF0];
	_ =	sdelay $0x4  }
0xb5: {  	v43 =	vshll.u32 v3, $0x1  }
0xb6: {  	v3 =	vand.u32 $0x7, v3;
	v4 =	vand.u32 $0xFFFFFFF0, v43  }
0xb7: {  	v3 =	vor.u32 v3, v4  }
0xb8: {  	v4 =	vperm.xlane v3, v0;
	_ =	sdelay $0x1  }
0xb9: {  	v3 =	vperm.xlane v3, v2;
	v4 =	vadd.s32 v1, v4;
	_ =	sdelay $0x1  }
0xba: {  	v3 =	vadd.s32 v1, v3;
	_ =	sdelay $0x1  }
0xbb: {  	s19 =	simm.s32 $0xF280  }
0xbc: {  	[tilespmem:s19], [sflag:$0x1] =	stream.indirect_vreg.gather [hbm4b:s3+s2], $0x80, v4, vm0, $0xb8;
	[tilespmem:$0x12280] =	vst v63  }
0xbd: {  	s19 =	simm.s32 $0xFA80  }
0xbe: {  	[tilespmem:s19], [sflag:$0x1] =	stream.indirect_vreg.gather [hbm4b:s3+s2], $0x80, v3, vm0, $0xb8;
	[tilespmem:$0x12280] =	vst v63  }
0xbf: {  	v3 =	vld [tilespmem:$0x100];
	_ =	sdelay $0x4  }
0xc0: {  	v44 =	vshll.u32 v3, $0x1  }
0xc1: {  	v3 =	vand.u32 $0x7, v3;
	v4 =	vand.u32 $0xFFFFFFF0, v44  }
0xc2: {  	v3 =	vor.u32 v3, v4  }
0xc3: {  	v4 =	vperm.xlane v3, v0;
	_ =	sdelay $0x1  }
0xc4: {  	v3 =	vperm.xlane v3, v2;
	v4 =	vadd.s32 v1, v4;
	_ =	sdelay $0x1  }
0xc5: {  	v3 =	vadd.s32 v1, v3;
	_ =	sdelay $0x1  }
0xc6: {  	s19 =	simm.s32 $0x10280  }
0xc7: {  	[tilespmem:s19], [sflag:$0x1] =	stream.indirect_vreg.gather [hbm4b:s3+s2], $0x80, v4, vm0, $0xb8;
	[tilespmem:$0x12280] =	vst v63  }
0xc8: {  	s19 =	simm.s32 $0x10A80  }
0xc9: {  	[tilespmem:s19], [sflag:$0x1] =	stream.indirect_vreg.gather [hbm4b:s3+s2], $0x80, v3, vm0, $0xb8;
	[tilespmem:$0x12280] =	vst v63  }
0xca: {  	v3 =	vld [tilespmem:$0x110];
	_ =	sdelay $0x4  }
0xcb: {  	v45 =	vshll.u32 v3, $0x1  }
0xcc: {  	v3 =	vand.u32 $0x7, v3;
	v4 =	vand.u32 $0xFFFFFFF0, v45  }
0xcd: {  	v3 =	vor.u32 v3, v4  }
0xce: {  	v4 =	vperm.xlane v3, v0;
	_ =	sdelay $0x1  }
0xcf: {  	v3 =	vperm.xlane v3, v2;
	v4 =	vadd.s32 v1, v4;
	_ =	sdelay $0x1  }
0xd0: {  	v3 =	vadd.s32 v1, v3;
	_ =	sdelay $0x1  }
0xd1: {  	s19 =	simm.s32 $0x11280  }
0xd2: {  	[tilespmem:s19], [sflag:$0x1] =	stream.indirect_vreg.gather [hbm4b:s3+s2], $0x80, v4, vm0, $0xb8;
	[tilespmem:$0x12280] =	vst v63  }
0xd3: {  	s19 =	simm.s32 $0x11A80  }
0xd4: {  	[tilespmem:s19], [sflag:$0x1] =	stream.indirect_vreg.gather [hbm4b:s3+s2], $0x80, v3, vm0, $0xb8;
	[tilespmem:$0x12280] =	vst v63  }
0xd5: {  	_ =	swait.ge [sflag:s16], $0x6000  }
0xd6: {  	[sflag:s16] =	ssyncset.done $0x0  }
0xd7: {  	s0 =	simm.s32 $0x280;
	s19 =	rddreg [dreg:$0x4];
	[sflag:s16] =	ssyncadd.s32 $0xFFFFA000  }
0xd8: {  	[hbm4b:s19+s2] =	stream.linear.scatter [tilespmem:s0], [sflag:$0x2], $0x6000, $0x38;
	[tilespmem:$0x12280] =	vst v63  }
0xd9: {  	_ =	swait.ge [sflag:s17], $0x6000  }
0xda: {  	[sflag:s17] =	ssyncset.done $0x0  }
0xdb: {  	[sflag:s17] =	ssyncadd.s32 $0xFFFFA000  }
0xdc: {  	v3 =	vld [tilespmem:$0x120];
	_ =	sdelay $0x4  }
0xdd: {  	v46 =	vshll.u32 v3, $0x1  }
0xde: {  	v3 =	vand.u32 $0x7, v3;
	v4 =	vand.u32 $0xFFFFFFF0, v46  }
0xdf: {  	v3 =	vor.u32 v3, v4  }
0xe0: {  	v4 =	vperm.xlane v3, v0;
	_ =	sdelay $0x1  }
0xe1: {  	v3 =	vperm.xlane v3, v2;
	v4 =	vadd.s32 v1, v4;
	_ =	sdelay $0x1  }
0xe2: {  	v3 =	vadd.s32 v1, v3;
	_ =	sdelay $0x2  }
0xe3: {  	[tilespmem:s0], [sflag:$0x1] =	stream.indirect_vreg.gather [hbm4b:s3+s2], $0x80, v4, vm0, $0xb8;
	[tilespmem:$0x12280] =	vst v63  }
0xe4: {  	_ = 	snop  }
0xe5: {  	[tilespmem:s20], [sflag:$0x1] =	stream.indirect_vreg.gather [hbm4b:s3+s2], $0x80, v3, vm0, $0xb8;
	[tilespmem:$0x12280] =	vst v63  }
0xe6: {  	v3 =	vld [tilespmem:$0x130];
	_ =	sdelay $0x4  }
0xe7: {  	v47 =	vshll.u32 v3, $0x1  }
0xe8: {  	v3 =	vand.u32 $0x7, v3;
	v4 =	vand.u32 $0xFFFFFFF0, v47  }
0xe9: {  	v3 =	vor.u32 v3, v4  }
0xea: {  	v4 =	vperm.xlane v3, v0;
	_ =	sdelay $0x1  }
0xeb: {  	v3 =	vperm.xlane v3, v2;
	v4 =	vadd.s32 v1, v4;
	_ =	sdelay $0x1  }
0xec: {  	v3 =	vadd.s32 v1, v3;
	_ =	sdelay $0x2  }
0xed: {  	[tilespmem:s21], [sflag:$0x1] =	stream.indirect_vreg.gather [hbm4b:s3+s2], $0x80, v4, vm0, $0xb8;
	[tilespmem:$0x12280] =	vst v63  }
0xee: {  	_ = 	snop  }
0xef: {  	[tilespmem:s22], [sflag:$0x1] =	stream.indirect_vreg.gather [hbm4b:s3+s2], $0x80, v3, vm0, $0xb8;
	[tilespmem:$0x12280] =	vst v63  }
0xf0: {  	v3 =	vld [tilespmem:$0x140];
	_ =	sdelay $0x4  }
0xf1: {  	v48 =	vshll.u32 v3, $0x1  }
0xf2: {  	v3 =	vand.u32 $0x7, v3;
	v4 =	vand.u32 $0xFFFFFFF0, v48  }
0xf3: {  	v3 =	vor.u32 v3, v4  }
0xf4: {  	v4 =	vperm.xlane v3, v0;
	_ =	sdelay $0x1  }
0xf5: {  	v3 =	vperm.xlane v3, v2;
	v4 =	vadd.s32 v1, v4;
	_ =	sdelay $0x1  }
0xf6: {  	v3 =	vadd.s32 v1, v3;
	_ =	sdelay $0x2  }
0xf7: {  	[tilespmem:s23], [sflag:$0x1] =	stream.indirect_vreg.gather [hbm4b:s3+s2], $0x80, v4, vm0, $0xb8;
	[tilespmem:$0x12280] =	vst v63  }
0xf8: {  	_ = 	snop  }
0xf9: {  	[tilespmem:s24], [sflag:$0x1] =	stream.indirect_vreg.gather [hbm4b:s3+s2], $0x80, v3, vm0, $0xb8;
	[tilespmem:$0x12280] =	vst v63  }
0xfa: {  	v3 =	vld [tilespmem:$0x150];
	_ =	sdelay $0x4  }
0xfb: {  	v49 =	vshll.u32 v3, $0x1  }
0xfc: {  	v3 =	vand.u32 $0x7, v3;
	v4 =	vand.u32 $0xFFFFFFF0, v49  }
0xfd: {  	v3 =	vor.u32 v3, v4  }
0xfe: {  	v4 =	vperm.xlane v3, v0;
	_ =	sdelay $0x1  }
0xff: {  	v3 =	vperm.xlane v3, v2;
	v4 =	vadd.s32 v1, v4;
	_ =	sdelay $0x1  }
0x100: {  	v3 =	vadd.s32 v1, v3;
	_ =	sdelay $0x2  }
0x101: {  	[tilespmem:s25], [sflag:$0x1] =	stream.indirect_vreg.gather [hbm4b:s3+s2], $0x80, v4, vm0, $0xb8;
	[tilespmem:$0x12280] =	vst v63  }
0x102: {  	_ = 	snop  }
0x103: {  	[tilespmem:s26], [sflag:$0x1] =	stream.indirect_vreg.gather [hbm4b:s3+s2], $0x80, v3, vm0, $0xb8;
	[tilespmem:$0x12280] =	vst v63  }
0x104: {  	v3 =	vld [tilespmem:$0x160];
	_ =	sdelay $0x4  }
0x105: {  	v50 =	vshll.u32 v3, $0x1  }
0x106: {  	v3 =	vand.u32 $0x7, v3;
	v4 =	vand.u32 $0xFFFFFFF0, v50  }
0x107: {  	v3 =	vor.u32 v3, v4  }
0x108: {  	v4 =	vperm.xlane v3, v0;
	_ =	sdelay $0x1  }
0x109: {  	v3 =	vperm.xlane v3, v2;
	v4 =	vadd.s32 v1, v4;
	_ =	sdelay $0x1  }
0x10a: {  	v3 =	vadd.s32 v1, v3;
	_ =	sdelay $0x2  }
0x10b: {  	[tilespmem:s28], [sflag:$0x1] =	stream.indirect_vreg.gather [hbm4b:s3+s2], $0x80, v4, vm0, $0xb8;
	[tilespmem:$0x12280] =	vst v63  }
0x10c: {  	_ = 	snop  }
0x10d: {  	[tilespmem:s29], [sflag:$0x1] =	stream.indirect_vreg.gather [hbm4b:s3+s2], $0x80, v3, vm0, $0xb8;
	[tilespmem:$0x12280] =	vst v63  }
0x10e: {  	v3 =	vld [tilespmem:$0x170];
	_ =	sdelay $0x4  }
0x10f: {  	v51 =	vshll.u32 v3, $0x1  }
0x110: {  	v3 =	vand.u32 $0x7, v3;
	v4 =	vand.u32 $0xFFFFFFF0, v51  }
0x111: {  	v3 =	vor.u32 v3, v4  }
0x112: {  	v4 =	vperm.xlane v3, v0;
	_ =	sdelay $0x1  }
0x113: {  	v3 =	vperm.xlane v3, v2;
	v4 =	vadd.s32 v1, v4;
	_ =	sdelay $0x1  }
0x114: {  	v3 =	vadd.s32 v1, v3;
	_ =	sdelay $0x2  }
0x115: {  	[tilespmem:s30], [sflag:$0x1] =	stream.indirect_vreg.gather [hbm4b:s3+s2], $0x80, v4, vm0, $0xb8;
	[tilespmem:$0x12280] =	vst v63  }
0x116: {  	_ = 	snop  }
0x117: {  	[tilespmem:s5], [sflag:$0x1] =	stream.indirect_vreg.gather [hbm4b:s3+s2], $0x80, v3, vm0, $0xb8;
	[tilespmem:$0x12280] =	vst v63  }
0x118: {  	_ =	swait.ge [sflag:s16], $0x6000  }
0x119: {  	[sflag:s16] =	ssyncset.done $0x0  }
0x11a: {  	s0 =	rddreg [dreg:$0x5];
	[sflag:s16] =	ssyncadd.s32 $0xFFFFA000  }
0x11b: {  	[hbm4b:s0+s2] =	stream.linear.scatter [tilespmem:s31], [sflag:$0x2], $0x6000, $0x38;
	[tilespmem:$0x12280] =	vst v63  }
0x11c: {  	_ =	swait.ge [sflag:s17], $0x6000  }
0x11d: {  	[sflag:s17] =	ssyncset.done $0x0  }
0x11e: {  	[sflag:s17] =	ssyncadd.s32 $0xFFFFA000  }
0x11f: {  	v3 =	vld [tilespmem:$0x180];
	_ =	sdelay $0x4  }
0x120: {  	v52 =	vshll.u32 v3, $0x1  }
0x121: {  	v3 =	vand.u32 $0x7, v3;
	v4 =	vand.u32 $0xFFFFFFF0, v52  }
0x122: {  	v3 =	vor.u32 v3, v4  }
0x123: {  	v4 =	vperm.xlane v3, v0;
	_ =	sdelay $0x1  }
0x124: {  	v3 =	vperm.xlane v3, v2;
	v4 =	vadd.s32 v1, v4;
	_ =	sdelay $0x1  }
0x125: {  	v3 =	vadd.s32 v1, v3;
	_ =	sdelay $0x2  }
0x126: {  	[tilespmem:s31], [sflag:$0x1] =	stream.indirect_vreg.gather [hbm4b:s3+s2], $0x80, v4, vm0, $0xb8;
	[tilespmem:$0x12280] =	vst v63  }
0x127: {  	_ = 	snop  }
0x128: {  	[tilespmem:s6], [sflag:$0x1] =	stream.indirect_vreg.gather [hbm4b:s3+s2], $0x80, v3, vm0, $0xb8;
	[tilespmem:$0x12280] =	vst v63  }
0x129: {  	v3 =	vld [tilespmem:$0x190];
	_ =	sdelay $0x4  }
0x12a: {  	v53 =	vshll.u32 v3, $0x1  }
0x12b: {  	v3 =	vand.u32 $0x7, v3;
	v4 =	vand.u32 $0xFFFFFFF0, v53  }
0x12c: {  	v3 =	vor.u32 v3, v4  }
0x12d: {  	v4 =	vperm.xlane v3, v0;
	_ =	sdelay $0x1  }
0x12e: {  	v3 =	vperm.xlane v3, v2;
	v4 =	vadd.s32 v1, v4;
	_ =	sdelay $0x1  }
0x12f: {  	v3 =	vadd.s32 v1, v3;
	_ =	sdelay $0x2  }
0x130: {  	[tilespmem:s7], [sflag:$0x1] =	stream.indirect_vreg.gather [hbm4b:s3+s2], $0x80, v4, vm0, $0xb8;
	[tilespmem:$0x12280] =	vst v63  }
0x131: {  	_ = 	snop  }
0x132: {  	[tilespmem:s8], [sflag:$0x1] =	stream.indirect_vreg.gather [hbm4b:s3+s2], $0x80, v3, vm0, $0xb8;
	[tilespmem:$0x12280] =	vst v63  }
0x133: {  	v3 =	vld [tilespmem:$0x1A0];
	_ =	sdelay $0x4  }
0x134: {  	v54 =	vshll.u32 v3, $0x1  }
0x135: {  	v3 =	vand.u32 $0x7, v3;
	v4 =	vand.u32 $0xFFFFFFF0, v54  }
0x136: {  	v3 =	vor.u32 v3, v4  }
0x137: {  	v4 =	vperm.xlane v3, v0;
	_ =	sdelay $0x1  }
0x138: {  	v3 =	vperm.xlane v3, v2;
	v4 =	vadd.s32 v1, v4;
	_ =	sdelay $0x1  }
0x139: {  	v3 =	vadd.s32 v1, v3;
	_ =	sdelay $0x2  }
0x13a: {  	[tilespmem:s9], [sflag:$0x1] =	stream.indirect_vreg.gather [hbm4b:s3+s2], $0x80, v4, vm0, $0xb8;
	[tilespmem:$0x12280] =	vst v63  }
0x13b: {  	_ = 	snop  }
0x13c: {  	[tilespmem:s10], [sflag:$0x1] =	stream.indirect_vreg.gather [hbm4b:s3+s2], $0x80, v3, vm0, $0xb8;
	[tilespmem:$0x12280] =	vst v63  }
0x13d: {  	v3 =	vld [tilespmem:$0x1B0];
	_ =	sdelay $0x4  }
0x13e: {  	v55 =	vshll.u32 v3, $0x1  }
0x13f: {  	v3 =	vand.u32 $0x7, v3;
	v4 =	vand.u32 $0xFFFFFFF0, v55  }
0x140: {  	v3 =	vor.u32 v3, v4  }
0x141: {  	v4 =	vperm.xlane v3, v0;
	_ =	sdelay $0x1  }
0x142: {  	v3 =	vperm.xlane v3, v2;
	v4 =	vadd.s32 v1, v4;
	_ =	sdelay $0x1  }
0x143: {  	v3 =	vadd.s32 v1, v3;
	_ =	sdelay $0x2  }
0x144: {  	[tilespmem:s11], [sflag:$0x1] =	stream.indirect_vreg.gather [hbm4b:s3+s2], $0x80, v4, vm0, $0xb8;
	[tilespmem:$0x12280] =	vst v63  }
0x145: {  	_ = 	snop  }
0x146: {  	[tilespmem:s12], [sflag:$0x1] =	stream.indirect_vreg.gather [hbm4b:s3+s2], $0x80, v3, vm0, $0xb8;
	[tilespmem:$0x12280] =	vst v63  }
0x147: {  	v3 =	vld [tilespmem:$0x1C0];
	_ =	sdelay $0x4  }
0x148: {  	v56 =	vshll.u32 v3, $0x1  }
0x149: {  	v3 =	vand.u32 $0x7, v3;
	v4 =	vand.u32 $0xFFFFFFF0, v56  }
0x14a: {  	v3 =	vor.u32 v3, v4  }
0x14b: {  	v4 =	vperm.xlane v3, v0;
	_ =	sdelay $0x1  }
0x14c: {  	v3 =	vperm.xlane v3, v2;
	v4 =	vadd.s32 v1, v4;
	_ =	sdelay $0x1  }
0x14d: {  	v3 =	vadd.s32 v1, v3;
	_ =	sdelay $0x2  }
0x14e: {  	[tilespmem:s13], [sflag:$0x1] =	stream.indirect_vreg.gather [hbm4b:s3+s2], $0x80, v4, vm0, $0xb8;
	[tilespmem:$0x12280] =	vst v63  }
0x14f: {  	_ = 	snop  }
0x150: {  	[tilespmem:s14], [sflag:$0x1] =	stream.indirect_vreg.gather [hbm4b:s3+s2], $0x80, v3, vm0, $0xb8;
	[tilespmem:$0x12280] =	vst v63  }
0x151: {  	v3 =	vld [tilespmem:$0x1D0];
	_ =	sdelay $0x4  }
0x152: {  	v57 =	vshll.u32 v3, $0x1  }
0x153: {  	v3 =	vand.u32 $0x7, v3;
	v4 =	vand.u32 $0xFFFFFFF0, v57  }
0x154: {  	v3 =	vor.u32 v3, v4  }
0x155: {  	v4 =	vperm.xlane v3, v0;
	_ =	sdelay $0x1  }
0x156: {  	v3 =	vperm.xlane v3, v2;
	v4 =	vadd.s32 v1, v4;
	_ =	sdelay $0x1  }
0x157: {  	v3 =	vadd.s32 v1, v3;
	_ =	sdelay $0x2  }
0x158: {  	[tilespmem:s15], [sflag:$0x1] =	stream.indirect_vreg.gather [hbm4b:s3+s2], $0x80, v4, vm0, $0xb8;
	[tilespmem:$0x12280] =	vst v63  }
0x159: {  	_ = 	snop  }
0x15a: {  	[tilespmem:s18], [sflag:$0x1] =	stream.indirect_vreg.gather [hbm4b:s3+s2], $0x80, v3, vm0, $0xb8;
	[tilespmem:$0x12280] =	vst v63  }
0x15b: {  	_ =	swait.ge [sflag:s16], $0x6000  }
0x15c: {  	[sflag:s16] =	ssyncset.done $0x0  }
0x15d: {  	s0 =	rddreg [dreg:$0x6];
	[sflag:s16] =	ssyncadd.s32 $0xFFFFA000  }
0x15e: {  	[hbm4b:s0+s2] =	stream.linear.scatter [tilespmem:s1], [sflag:$0x2], $0x6000, $0x38;
	[tilespmem:$0x12280] =	vst v63  }
0x15f: {  	_ =	swait.ge [sflag:s17], $0x6000  }
0x160: {  	[sflag:s17] =	ssyncset.done $0x0  }
0x161: {  	[sflag:s17] =	ssyncadd.s32 $0xFFFFA000  }
0x162: {  	v3 =	vld [tilespmem:$0x1E0];
	_ =	sdelay $0x4  }
0x163: {  	v58 =	vshll.u32 v3, $0x1  }
0x164: {  	v3 =	vand.u32 $0x7, v3;
	v4 =	vand.u32 $0xFFFFFFF0, v58  }
0x165: {  	v3 =	vor.u32 v3, v4  }
0x166: {  	v4 =	vperm.xlane v3, v0;
	_ =	sdelay $0x1  }
0x167: {  	v3 =	vperm.xlane v3, v2;
	v4 =	vadd.s32 v1, v4;
	_ =	sdelay $0x1  }
0x168: {  	v3 =	vadd.s32 v1, v3;
	_ =	sdelay $0x2  }
0x169: {  	[tilespmem:s1], [sflag:$0x1] =	stream.indirect_vreg.gather [hbm4b:s3+s2], $0x80, v4, vm0, $0xb8;
	[tilespmem:$0x12280] =	vst v63  }
0x16a: {  	s19 =	simm.s32 $0xCA80  }
0x16b: {  	[tilespmem:s19], [sflag:$0x1] =	stream.indirect_vreg.gather [hbm4b:s3+s2], $0x80, v3, vm0, $0xb8;
	[tilespmem:$0x12280] =	vst v63  }
0x16c: {  	v3 =	vld [tilespmem:$0x1F0];
	_ =	sdelay $0x4  }
0x16d: {  	v59 =	vshll.u32 v3, $0x1  }
0x16e: {  	v3 =	vand.u32 $0x7, v3;
	v4 =	vand.u32 $0xFFFFFFF0, v59  }
0x16f: {  	v3 =	vor.u32 v3, v4  }
0x170: {  	v4 =	vperm.xlane v3, v0;
	_ =	sdelay $0x1  }
0x171: {  	v3 =	vperm.xlane v3, v2;
	v4 =	vadd.s32 v1, v4;
	_ =	sdelay $0x1  }
0x172: {  	v3 =	vadd.s32 v1, v3;
	_ =	sdelay $0x1  }
0x173: {  	s19 =	simm.s32 $0xD280  }
0x174: {  	[tilespmem:s19], [sflag:$0x1] =	stream.indirect_vreg.gather [hbm4b:s3+s2], $0x80, v4, vm0, $0xb8;
	[tilespmem:$0x12280] =	vst v63  }
0x175: {  	s19 =	simm.s32 $0xDA80  }
0x176: {  	[tilespmem:s19], [sflag:$0x1] =	stream.indirect_vreg.gather [hbm4b:s3+s2], $0x80, v3, vm0, $0xb8;
	[tilespmem:$0x12280] =	vst v63  }
0x177: {  	v3 =	vld [tilespmem:$0x200];
	_ =	sdelay $0x4  }
0x178: {  	v60 =	vshll.u32 v3, $0x1  }
0x179: {  	v3 =	vand.u32 $0x7, v3;
	v4 =	vand.u32 $0xFFFFFFF0, v60  }
0x17a: {  	v3 =	vor.u32 v3, v4  }
0x17b: {  	v4 =	vperm.xlane v3, v0;
	_ =	sdelay $0x1  }
0x17c: {  	v3 =	vperm.xlane v3, v2;
	v4 =	vadd.s32 v1, v4;
	_ =	sdelay $0x1  }
0x17d: {  	v3 =	vadd.s32 v1, v3;
	_ =	sdelay $0x1  }
0x17e: {  	s19 =	simm.s32 $0xE280  }
0x17f: {  	[tilespmem:s19], [sflag:$0x1] =	stream.indirect_vreg.gather [hbm4b:s3+s2], $0x80, v4, vm0, $0xb8;
	[tilespmem:$0x12280] =	vst v63  }
0x180: {  	s19 =	simm.s32 $0xEA80  }
0x181: {  	[tilespmem:s19], [sflag:$0x1] =	stream.indirect_vreg.gather [hbm4b:s3+s2], $0x80, v3, vm0, $0xb8;
	[tilespmem:$0x12280] =	vst v63  }
0x182: {  	v3 =	vld [tilespmem:$0x210];
	_ =	sdelay $0x4  }
0x183: {  	v61 =	vshll.u32 v3, $0x1  }
0x184: {  	v3 =	vand.u32 $0x7, v3;
	v4 =	vand.u32 $0xFFFFFFF0, v61  }
0x185: {  	v3 =	vor.u32 v3, v4  }
0x186: {  	v4 =	vperm.xlane v3, v0;
	_ =	sdelay $0x1  }
0x187: {  	v3 =	vperm.xlane v3, v2;
	v4 =	vadd.s32 v1, v4;
	_ =	sdelay $0x1  }
0x188: {  	v3 =	vadd.s32 v1, v3;
	_ =	sdelay $0x1  }
0x189: {  	s19 =	simm.s32 $0xF280  }
0x18a: {  	[tilespmem:s19], [sflag:$0x1] =	stream.indirect_vreg.gather [hbm4b:s3+s2], $0x80, v4, vm0, $0xb8;
	[tilespmem:$0x12280] =	vst v63  }
0x18b: {  	s19 =	simm.s32 $0xFA80  }
0x18c: {  	[tilespmem:s19], [sflag:$0x1] =	stream.indirect_vreg.gather [hbm4b:s3+s2], $0x80, v3, vm0, $0xb8;
	[tilespmem:$0x12280] =	vst v63  }
0x18d: {  	v3 =	vld [tilespmem:$0x220];
	_ =	sdelay $0x4  }
0x18e: {  	v62 =	vshll.u32 v3, $0x1  }
0x18f: {  	v3 =	vand.u32 $0x7, v3;
	v4 =	vand.u32 $0xFFFFFFF0, v62  }
0x190: {  	v3 =	vor.u32 v3, v4  }
0x191: {  	v4 =	vperm.xlane v3, v0;
	_ =	sdelay $0x1  }
0x192: {  	v3 =	vperm.xlane v3, v2;
	v4 =	vadd.s32 v1, v4;
	_ =	sdelay $0x1  }
0x193: {  	v3 =	vadd.s32 v1, v3;
	_ =	sdelay $0x1  }
0x194: {  	s19 =	simm.s32 $0x10280  }
0x195: {  	[tilespmem:s19], [sflag:$0x1] =	stream.indirect_vreg.gather [hbm4b:s3+s2], $0x80, v4, vm0, $0xb8;
	[tilespmem:$0x12280] =	vst v63  }
0x196: {  	s19 =	simm.s32 $0x10A80  }
0x197: {  	[tilespmem:s19], [sflag:$0x1] =	stream.indirect_vreg.gather [hbm4b:s3+s2], $0x80, v3, vm0, $0xb8;
	[tilespmem:$0x12280] =	vst v63  }
0x198: {  	v3 =	vld [tilespmem:$0x230];
	_ =	sdelay $0x4  }
0x199: {  	v63 =	vshll.u32 v3, $0x1  }
0x19a: {  	v3 =	vand.u32 $0x7, v3;
	v4 =	vand.u32 $0xFFFFFFF0, v63  }
0x19b: {  	v3 =	vor.u32 v3, v4  }
0x19c: {  	v4 =	vperm.xlane v3, v0;
	_ =	sdelay $0x1  }
0x19d: {  	v3 =	vperm.xlane v3, v2;
	v4 =	vadd.s32 v1, v4;
	_ =	sdelay $0x1  }
0x19e: {  	v3 =	vadd.s32 v1, v3;
	_ =	sdelay $0x1  }
0x19f: {  	s19 =	simm.s32 $0x11280  }
0x1a0: {  	[tilespmem:s19], [sflag:$0x1] =	stream.indirect_vreg.gather [hbm4b:s3+s2], $0x80, v4, vm0, $0xb8;
	[tilespmem:$0x12280] =	vst v63  }
0x1a1: {  	s19 =	simm.s32 $0x11A80  }
0x1a2: {  	[tilespmem:s19], [sflag:$0x1] =	stream.indirect_vreg.gather [hbm4b:s3+s2], $0x80, v3, vm0, $0xb8;
	[tilespmem:$0x12280] =	vst v63  }
0x1a3: {  	_ =	swait.ge [sflag:s16], $0x6000  }
0x1a4: {  	[sflag:s16] =	ssyncset.done $0x0  }
0x1a5: {  	s0 =	simm.s32 $0x280;
	s19 =	rddreg [dreg:$0x7];
	[sflag:s16] =	ssyncadd.s32 $0xFFFFA000  }
0x1a6: {  	[hbm4b:s19+s2] =	stream.linear.scatter [tilespmem:s0], [sflag:$0x2], $0x6000, $0x38;
	[tilespmem:$0x12280] =	vst v63  }
0x1a7: {  	_ =	swait.ge [sflag:s16], $0x6000  }
0x1a8: {  	[sflag:s16] =	ssyncset.done $0x0  }
0x1a9: {  	s0 =	rddreg [dreg:$0x8];
	[sflag:s16] =	ssyncadd.s32 $0xFFFFA000  }
0x1aa: {  	[hbm4b:s0+s2] =	stream.linear.scatter [tilespmem:s31], [sflag:$0x2], $0x6000, $0x38;
	[tilespmem:$0x12280] =	vst v63  }
0x1ab: {  	_ =	swait.ge [sflag:s16], $0x6000  }
0x1ac: {  	[sflag:s16] =	ssyncset.done $0x0  }
0x1ad: {  	s0 =	rddreg [dreg:$0x9];
	[sflag:s16] =	ssyncadd.s32 $0xFFFFA000  }
0x1ae: {  	[hbm4b:s0+s2] =	stream.linear.scatter [tilespmem:s1], [sflag:$0x2], $0x6000, $0x38;
	[tilespmem:$0x12280] =	vst v63  }
0x1af: {  	_ =	swait.ge [sflag:s17], $0x6000  }
0x1b0: {  	[sflag:s17] =	ssyncset.done $0x0  }
0x1b1: {  	[sflag:s17] =	ssyncadd.s32 $0xFFFFA000  }
0x1b2: {  	p0 =	sne.s32 s4, $0x1;
	_ =	swait.ge [sflag:s17], $0x6000  }
.Ltmp0:
0x1b3: {  	[sflag:s17] =	ssyncset.done $0x0;
	(pc) =	sbr.rel @p0 .LBB2_1-.Ltmp0, $4  }
0x1b4: {  	[sflag:s17] =	ssyncadd.s32 $0xFFFFA000  }
0x1b5: {  	_ =	swait.ge [sflag:s17], $0x6000  }
0x1b6: {  	[sflag:s17] =	ssyncset.done $0x0  }
0x1b7: {  	s4 =	sadd.s32 $0xFFFFFFFF, s4;
	[sflag:s17] =	ssyncadd.s32 $0xFFFFA000  }
0x1b8: {  	_ =	sfence.sel $0x180000  }
0x1b9: {  	[bflag:$0x0] =	sbarrier.arrive $0xFFFF  }
0x1ba: {  	_ =	strace $0x90000047  }
0x1bb: {  	s0 =	stileid.u32;
	[bflag:$0x2] =	sbarrier.arrive $0xFFFF  }
0x1bc: {  	p0 =	sne.s32 s0, $0x0;
	s0 =	rddreg [dreg:$0x2]  }
0x1bd: {  	s0 =	sadd.s32 @!p0 $0x100000, s0  }
0x1be: {  	[sflag:s0] =	ssyncadd.tile.s32 @!p0 $0x1;
	_ =	shalt  }
.Lfunc_end2:
_tile_overlayer_lowered:
.L_overlay_start_2:
0x1bf: {  	(tag) =	ssettag $0x2  }
0x1c0: {  	s0 =	rddreg [dreg:$0x0];
	s2 =	stileid.u32  }
0x1c1: {  	s1 =	rddreg [dreg:$0x1];
	p0 =	sne.s32 s2, $0x0  }
0x1c2: {  	s3 =	rddreg [dreg:$0x2];
	[bflag:$0x3] =	sbarrier.arrive $0xFFFF;
	s2 =	simm.s32 @!p0 $0x1C03  }
0x1c3: {  	[timem:s3], [sflag:s2] =	dma.local @!p0 [hbm:s0], s1  }
0x1c4: {  	s0 =	simm.s32 @!p0 $0x3  }
0x1c5: {  	_ =	swait.ge @!p0 [sflag:s0], s1  }
0x1c6: {  	s1 =	ssub.s32 @!p0 $0x0, s1;
	[sflag:s0] =	ssyncset.done @!p0 $0x0  }
0x1c7: {  	[sflag:s0] =	ssyncadd.s32 @!p0 s1  }
0x1c8: {  	[bflag:$0x3] =	sbarrier.arrive $0xFFFF  }
0x1c9: {  	_ =	shalt  }

</sc_bundles>
